<compile_context>
chip_gen: v7x
topology: tpu7x:2x2x1
jax: 0.10.2.dev20260603
libtpu: 0.0.44.dev20260713+nightly
codegen_flags: <defaults>
</compile_context>

<pallas_src>
import functools

import jax
import jax.numpy as jnp
from jax import lax
from jax.experimental import pallas as pl
from jax.experimental.pallas import tpu as pltpu
from jax.experimental.pallas import tpu_sc as plsc

B, N, C, E = 2, 2048, 128, 4
K = N // 2
L = 16
NC, NS = 2, 16
NW = NC * NS
RPW = (B * K) // NW
RCHUNK = 4
NCHUNK = RPW // RCHUNK


def _topk_body(x_ref, w1_ref, b1_ref, w2_ref, b2_ref, w3t_ref, idx_ref):
    xb = x_ref[0]
    h = jnp.maximum(jnp.dot(xb, w1_ref[...], preferred_element_type=jnp.float32) + b1_ref[0], 0.0)
    h = jnp.maximum(jnp.dot(h, w2_ref[...], preferred_element_type=jnp.float32) + b2_ref[0], 0.0)
    s_bcast = jnp.dot(h, w3t_ref[...], preferred_element_type=jnp.float32)
    s_col = s_bcast[:, :1]
    s_row = jnp.transpose(s_bcast)[:1, :]

    j_iota = lax.broadcasted_iota(jnp.int32, (1, N), 1).astype(jnp.float32)
    cb = 256
    rank_chunks = []
    for t in range(N // cb):
        sc = s_col[t * cb:(t + 1) * cb, :]
        i_iota = lax.broadcasted_iota(jnp.int32, (cb, 1), 0).astype(jnp.float32) + float(t * cb)
        gt = jnp.sum((s_row > sc).astype(jnp.float32), axis=1, keepdims=True)
        eq = jnp.sum(((s_row == sc) & (j_iota < i_iota)).astype(jnp.float32),
                     axis=1, keepdims=True)
        rank_chunks.append(gt + eq)
    ranks = jnp.concatenate(rank_chunks, axis=0)

    p_iota = lax.broadcasted_iota(jnp.int32, (1, K), 1).astype(jnp.float32)
    idx_vals = jnp.zeros((1, K), jnp.float32)
    for t in range(N // cb):
        rc = ranks[t * cb:(t + 1) * cb, :]
        i_iota = lax.broadcasted_iota(jnp.int32, (cb, 1), 0).astype(jnp.float32) + float(t * cb)
        match = (rc == p_iota).astype(jnp.float32)
        idx_vals = idx_vals + jnp.sum(match * i_iota, axis=0, keepdims=True)
    idx_ref[0] = idx_vals.astype(jnp.int32)


def _topk_idx(x, W1, b1, W2, b2, W3):
    w3t = jnp.tile(W3, (1, 128))
    return pl.pallas_call(
        _topk_body,
        grid=(B,),
        in_specs=[
            pl.BlockSpec((1, N, C), lambda b: (b, 0, 0)),
            pl.BlockSpec((C, 64), lambda b: (0, 0)),
            pl.BlockSpec((1, 64), lambda b: (0, 0)),
            pl.BlockSpec((64, 16), lambda b: (0, 0)),
            pl.BlockSpec((1, 16), lambda b: (0, 0)),
            pl.BlockSpec((16, 128), lambda b: (0, 0)),
        ],
        out_specs=pl.BlockSpec((1, 1, K), lambda b: (b, 0, 0)),
        out_shape=jax.ShapeDtypeStruct((B, 1, K), jnp.int32),
    )(x, W1, b1.reshape(1, 64), W2, b2.reshape(1, 16), w3t).reshape(B, K)


def _sc_body(colidx_hbm, ecolidx_hbm, rowids2d_hbm, rowids_hbm,
             x_hbm, adj_hbm, edge_hbm,
             feat_out, adj_out, edge_out,
             colidx_v, ecolidx_v, rowids_v, rowflat_v, feat_v,
             adjrows_v, edgerows_v, oadj_v, oedge_v,
             sem_a, sem_e):
    wid = lax.axis_index("s") * NC + lax.axis_index("c")
    base = wid * RPW
    b = base // K

    pltpu.sync_copy(colidx_hbm.at[pl.ds(b * K, K)], colidx_v)
    pltpu.sync_copy(ecolidx_hbm.at[pl.ds(b * K * E, K * E)], ecolidx_v)
    pltpu.sync_copy(rowids2d_hbm.at[wid], rowids_v)
    pltpu.sync_copy(rowids_hbm.at[pl.ds(base, RPW)], rowflat_v)

    pltpu.async_copy(x_hbm.at[rowflat_v], feat_v, sem_a).wait()
    pltpu.sync_copy(feat_v, feat_out.at[pl.ds(base, RPW)])

    def chunk_body(g, carry):
        rid = rowids_v.at[g]
        cp_a = pltpu.async_copy(adj_hbm.at[rid], adjrows_v, sem_a)
        cp_e = pltpu.async_copy(edge_hbm.at[rid], edgerows_v, sem_e)
        cp_a.wait()

        def col_adj(t, c2):
            ci = colidx_v[pl.ds(t * L, L)]
            for r in range(RCHUNK):
                rv = jnp.full((L,), r, jnp.int32)
                oadj_v[r, pl.ds(t * L, L)] = plsc.load_gather(adjrows_v, [rv, ci])
            return c2
        lax.fori_loop(0, K // L, col_adj, 0, unroll=2)
        cp_e.wait()

        def col_edge(t, c2):
            ci = ecolidx_v[pl.ds(t * L, L)]
            for r in range(RCHUNK):
                rv = jnp.full((L,), r, jnp.int32)
                oedge_v[r, pl.ds(t * L, L)] = plsc.load_gather(edgerows_v, [rv, ci])
            return c2
        lax.fori_loop(0, (K * E) // L, col_edge, 0, unroll=2)

        pltpu.sync_copy(oadj_v, adj_out.at[pl.ds(base + g * RCHUNK, RCHUNK)])
        pltpu.sync_copy(oedge_v, edge_out.at[pl.ds(base + g * RCHUNK, RCHUNK)])
        return carry

    lax.fori_loop(0, NCHUNK, chunk_body, 0)


@functools.partial(jax.jit, static_argnames=())
def _sc_pool(colidx, ecolidx, rowids2d, rowids, x2d, adj2d, edge2d):
    mesh = plsc.VectorSubcoreMesh(core_axis_name="c", subcore_axis_name="s",
                                  num_cores=NC, num_subcores=NS)
    f = pl.kernel(
        _sc_body,
        out_type=[
            jax.ShapeDtypeStruct((B * K, C), jnp.float32),
            jax.ShapeDtypeStruct((B * K, K), jnp.float32),
            jax.ShapeDtypeStruct((B * K, K * E), jnp.float32),
        ],
        mesh=mesh,
        compiler_params=pltpu.CompilerParams(needs_layout_passes=False),
        scratch_types=[
            pltpu.VMEM((K,), jnp.int32),
            pltpu.VMEM((K * E,), jnp.int32),
            pltpu.VMEM((NCHUNK, RCHUNK), jnp.int32),
            pltpu.VMEM((RPW,), jnp.int32),
            pltpu.VMEM((RPW, C), jnp.float32),
            pltpu.VMEM((RCHUNK, N), jnp.float32),
            pltpu.VMEM((RCHUNK, N * E), jnp.float32),
            pltpu.VMEM((RCHUNK, K), jnp.float32),
            pltpu.VMEM((RCHUNK, K * E), jnp.float32),
            pltpu.SemaphoreType.DMA,
            pltpu.SemaphoreType.DMA,
        ],
    )
    return f(colidx, ecolidx, rowids2d, rowids, x2d, adj2d, edge2d)


def kernel(x, adjacency, edge_features, superpoint_centroids,
           W1, b1, W2, b2, W3, b3):
    del superpoint_centroids, b3
    idx = _topk_idx(x, W1, b1, W2, b2, W3)

    rowids = (idx + jnp.arange(B, dtype=jnp.int32)[:, None] * N).reshape(-1)
    rowids2d = rowids.reshape(NW, NCHUNK, RCHUNK)
    colidx = idx.reshape(-1)
    ecolidx = (idx[:, :, None] * E
               + jnp.arange(E, dtype=jnp.int32)[None, None, :]).reshape(-1)

    feat, adj_p, edge_p = _sc_pool(
        colidx, ecolidx, rowids2d, rowids,
        x.reshape(B * N, C),
        adjacency.reshape(B * N, N),
        edge_features.reshape(B * N, N * E),
    )
    return (feat.reshape(B, K, C),
            adj_p.reshape(B, K, K),
            edge_p.reshape(B, K, K, E))

# --- scband reference (transcript-rebuilt; emitter-appended) ---
"""Pipeline reference for scband-hierarchical-graph-pooling-6030134083773 (READ-ONLY COPY).

The authoritative reference and input builder live on the scoring server;
editing this copy changes nothing except your own understanding.
"""

import jax, jax.numpy as jnp
import numpy as np

B, N, C, E, S = 2, 2048, 128, 4, 256
RATIO = 0.5

def setup_inputs(seed: int = 0) -> dict:
    key = jax.random.key(seed)
    ks = jax.random.split(key, 10)
    return {
        "x": jax.random.normal(ks[0], (B, N, C), dtype=jnp.float32),
        "adjacency": jax.random.uniform(ks[1], (B, N, N), dtype=jnp.float32),
        "edge_features": jax.random.normal(ks[2], (B, N, N, E), dtype=jnp.float32),
        "superpoint_centroids": jax.random.normal(ks[3], (B, S, 3), dtype=jnp.float32),
        "W1": jax.random.normal(ks[4], (C, 64), dtype=jnp.float32) * 0.05,
        "b1": jnp.zeros((64,), dtype=jnp.float32),
        "W2": jax.random.normal(ks[5], (64, 16), dtype=jnp.float32) * 0.05,
        "b2": jnp.zeros((16,), dtype=jnp.float32),
        "W3": jax.random.normal(ks[6], (16, 1), dtype=jnp.float32) * 0.05,
        "b3": jnp.zeros((1,), dtype=jnp.float32),
    }

def reference(x, adjacency, edge_features, superpoint_centroids, W1, b1, W2, b2, W3, b3):
    Bd, Nd, Cd = x.shape
    h = jax.nn.relu(jnp.dot(x, W1) + b1)
    h = jax.nn.relu(jnp.dot(h, W2) + b2)
    scores = (jnp.dot(h, W3) + b3)[..., 0]  # [B, N]
    k = max(1, int(Nd * RATIO))
    _, idx = jax.lax.top_k(scores, k)  # [B, k], sorted descending like torch.topk
    bidx = jnp.arange(Bd)[:, None, None]
    pooled_features = jnp.take_along_axis(x, idx[:, :, None], axis=1)  # [B, k, C]
    pooled_adjacency = adjacency[bidx, idx[:, :, None], idx[:, None, :]]  # [B, k, k]
    pooled_edge_features = edge_features[bidx, idx[:, :, None], idx[:, None, :]]  # [B, k, k, E]
    return (pooled_features, pooled_adjacency, pooled_edge_features)

if __name__ == "__main__":
    import jax
    _d = setup_inputs()
    print(jax.jit(kernel)(*tuple(_d.values())))

</pallas_src>

<mosaic_0001>
#map = affine_map<(d0, d1) -> (0)>
#map1 = affine_map<(d0, d1) -> (0, 0, 0)>
#map2 = affine_map<(d0, d1) -> (0, 0)>
module attributes {stable_mosaic.version = 14 : i64} {
  func.func @_sc_body(%arg0: i32, %arg1: i32, %arg2: memref<2048xi32, #tpu.memory_space<hbm>>, %arg3: memref<8192xi32, #tpu.memory_space<hbm>>, %arg4: memref<32x16x4xi32, #tpu.memory_space<hbm>>, %arg5: memref<2048xi32, #tpu.memory_space<hbm>>, %arg6: memref<4096x128xf32, #tpu.memory_space<hbm>>, %arg7: memref<4096x2048xf32, #tpu.memory_space<hbm>>, %arg8: memref<4096x8192xf32, #tpu.memory_space<hbm>>, %arg9: memref<2048x128xf32, #tpu.memory_space<hbm>>, %arg10: memref<2048x1024xf32, #tpu.memory_space<hbm>>, %arg11: memref<2048x4096xf32, #tpu.memory_space<hbm>>, %arg12: memref<1024xi32, #tpu.memory_space<vmem>>, %arg13: memref<4096xi32, #tpu.memory_space<vmem>>, %arg14: memref<16x4xi32, #tpu.memory_space<vmem>>, %arg15: memref<64xi32, #tpu.memory_space<vmem>>, %arg16: memref<64x128xf32, #tpu.memory_space<vmem>>, %arg17: memref<4x2048xf32, #tpu.memory_space<vmem>>, %arg18: memref<4x8192xf32, #tpu.memory_space<vmem>>, %arg19: memref<4x1024xf32, #tpu.memory_space<vmem>>, %arg20: memref<4x4096xf32, #tpu.memory_space<vmem>>, %arg21: memref<!tpu.dma_semaphore, #tpu.memory_space<semaphore_mem>>, %arg22: memref<!tpu.dma_semaphore, #tpu.memory_space<semaphore_mem>>) attributes {dimension_semantics = [#tpu.dimension_semantics<core_parallel>, #tpu.dimension_semantics<subcore_parallel>], iteration_bounds = array<i64: 2, 16>, scalar_prefetch = 0 : i64, scratch_operands = 11 : i64, tpu.core_type = #tpu.core_type<sc_vector_subcore>, window_params = [{transform_indices = #map}, {transform_indices = #map}, {transform_indices = #map1}, {transform_indices = #map}, {transform_indices = #map2}, {transform_indices = #map2}, {transform_indices = #map2}, {transform_indices = #map2}, {transform_indices = #map2}, {transform_indices = #map2}]} {
    %mul3A = arith.constant 2 : i32
    %mul3A_0 = arith.muli %arg1, %mul3A : i32
    %add3A = arith.addi %mul3A_0, %arg0 : i32
    %mul3A_1 = arith.constant 64 : i32
    %mul3A_2 = arith.muli %add3A, %mul3A_1 : i32
    %jit3A = arith.constant 1024 : i32
    %div3A = arith.divsi %mul3A_2, %jit3A : i32
    %sign3A = arith.constant 0 : i32
    %sign3A_3 = arith.cmpi sgt, %mul3A_2, %sign3A : i32
    %sign3A_4 = arith.extui %sign3A_3 : i1 to i32
    %sign3A_5 = arith.constant 0 : i32
    %sign3A_6 = arith.cmpi slt, %mul3A_2, %sign3A_5 : i32
    %sign3A_7 = arith.extui %sign3A_6 : i1 to i32
    %sign3A_8 = arith.subi %sign3A_4, %sign3A_7 : i32
    %sign3A_9 = arith.constant 0 : i32
    %sign3A_10 = arith.cmpi sgt, %jit3A, %sign3A_9 : i32
    %sign3A_11 = arith.extui %sign3A_10 : i1 to i32
    %sign3A_12 = arith.constant 0 : i32
    %sign3A_13 = arith.cmpi slt, %jit3A, %sign3A_12 : i32
    %sign3A_14 = arith.extui %sign3A_13 : i1 to i32
    %sign3A_15 = arith.subi %sign3A_11, %sign3A_14 : i32
    %ne3A = arith.cmpi ne, %sign3A_8, %sign3A_15 : i32
    %rem3A = arith.remsi %mul3A_2, %jit3A : i32
    %ne3A_16 = arith.constant 0 : i32
    %ne3A_17 = arith.cmpi ne, %rem3A, %ne3A_16 : i32
    %and3A = arith.andi %ne3A, %ne3A_17 : i1
    %sub3A = arith.constant 1 : i32
    %sub3A_18 = arith.subi %div3A, %sub3A : i32
    %select_n3A = arith.select %and3A, %sub3A_18, %div3A : i32
    %mul3A_19 = arith.constant 1024 : i32
    %mul3A_20 = arith.muli %select_n3A, %mul3A_19 : i32
    "tpu.region"() ({
      %run_scoped3A = tpu.sem_alloc : memref<!tpu.dma_semaphore, #tpu.memory_space<semaphore_mem>>
      %dma_start3A_34 = tpu.memref_slice %arg2[%mul3A_20] : memref<2048xi32, #tpu.memory_space<hbm>> -> memref<1024xi32, #tpu.memory_space<hbm>>
      %dma_start3A_35 = tpu.memref_slice %arg2[%mul3A_20] : memref<2048xi32, #tpu.memory_space<hbm>> -> memref<1024xi32, #tpu.memory_space<hbm>>
      tpu.enqueue_dma source(%dma_start3A_35 : memref<1024xi32, #tpu.memory_space<hbm>>) target(%arg12 : memref<1024xi32, #tpu.memory_space<vmem>>) target_semaphore(%run_scoped3A : memref<!tpu.dma_semaphore, #tpu.memory_space<semaphore_mem>>)
      %dma_wait3A_36 = tpu.memref_slice %arg2[%mul3A_20] : memref<2048xi32, #tpu.memory_space<hbm>> -> memref<1024xi32, #tpu.memory_space<hbm>>
      %dma_wait3A_37 = tpu.memref_slice %arg2[%mul3A_20] : memref<2048xi32, #tpu.memory_space<hbm>> -> memref<1024xi32, #tpu.memory_space<hbm>>
      tpu.wait_dma2 semaphore(%run_scoped3A : memref<!tpu.dma_semaphore, #tpu.memory_space<semaphore_mem>>) src(%dma_wait3A_37 : memref<1024xi32, #tpu.memory_space<hbm>>) dst(%arg12 : memref<1024xi32, #tpu.memory_space<vmem>>)
      tpu.yield
    }) : () -> ()
    %mul3A_21 = arith.constant 1024 : i32
    %mul3A_22 = arith.muli %select_n3A, %mul3A_21 : i32
    %mul3A_23 = arith.constant 4 : i32
    %mul3A_24 = arith.muli %mul3A_22, %mul3A_23 : i32
    "tpu.region"() ({
      %run_scoped3A = tpu.sem_alloc : memref<!tpu.dma_semaphore, #tpu.memory_space<semaphore_mem>>
      %dma_start3A_34 = tpu.memref_slice %arg3[%mul3A_24] : memref<8192xi32, #tpu.memory_space<hbm>> -> memref<4096xi32, #tpu.memory_space<hbm>>
      %dma_start3A_35 = tpu.memref_slice %arg3[%mul3A_24] : memref<8192xi32, #tpu.memory_space<hbm>> -> memref<4096xi32, #tpu.memory_space<hbm>>
      tpu.enqueue_dma source(%dma_start3A_35 : memref<4096xi32, #tpu.memory_space<hbm>>) target(%arg13 : memref<4096xi32, #tpu.memory_space<vmem>>) target_semaphore(%run_scoped3A : memref<!tpu.dma_semaphore, #tpu.memory_space<semaphore_mem>>)
      %dma_wait3A_36 = tpu.memref_slice %arg3[%mul3A_24] : memref<8192xi32, #tpu.memory_space<hbm>> -> memref<4096xi32, #tpu.memory_space<hbm>>
      %dma_wait3A_37 = tpu.memref_slice %arg3[%mul3A_24] : memref<8192xi32, #tpu.memory_space<hbm>> -> memref<4096xi32, #tpu.memory_space<hbm>>
      tpu.wait_dma2 semaphore(%run_scoped3A : memref<!tpu.dma_semaphore, #tpu.memory_space<semaphore_mem>>) src(%dma_wait3A_37 : memref<4096xi32, #tpu.memory_space<hbm>>) dst(%arg13 : memref<4096xi32, #tpu.memory_space<vmem>>)
      tpu.yield
    }) : () -> ()
    "tpu.region"() ({
      %run_scoped3A = tpu.sem_alloc : memref<!tpu.dma_semaphore, #tpu.memory_space<semaphore_mem>>
      %dma_start3A_34 = arith.constant 0 : i32
      %dma_start3A_35 = arith.constant 0 : i32
      %dma_start3A_36 = tpu.memref_slice %arg4[%add3A, %dma_start3A_34, %dma_start3A_35] : memref<32x16x4xi32, #tpu.memory_space<hbm>> -> memref<1x16x4xi32, #tpu.memory_space<hbm>>
      %dma_start3A_37 = tpu.memref_squeeze %dma_start3A_36 : memref<1x16x4xi32, #tpu.memory_space<hbm>> -> memref<16x4xi32, #tpu.memory_space<hbm>>
      %dma_start3A_38 = arith.constant 0 : i32
      %dma_start3A_39 = arith.constant 0 : i32
      %dma_start3A_40 = tpu.memref_slice %arg4[%add3A, %dma_start3A_38, %dma_start3A_39] : memref<32x16x4xi32, #tpu.memory_space<hbm>> -> memref<1x16x4xi32, #tpu.memory_space<hbm>>
      %dma_start3A_41 = tpu.memref_squeeze %dma_start3A_40 : memref<1x16x4xi32, #tpu.memory_space<hbm>> -> memref<16x4xi32, #tpu.memory_space<hbm>>
      tpu.enqueue_dma source(%dma_start3A_41 : memref<16x4xi32, #tpu.memory_space<hbm>>) target(%arg14 : memref<16x4xi32, #tpu.memory_space<vmem>>) target_semaphore(%run_scoped3A : memref<!tpu.dma_semaphore, #tpu.memory_space<semaphore_mem>>)
      %dma_wait3A_42 = arith.constant 0 : i32
      %dma_wait3A_43 = arith.constant 0 : i32
      %dma_wait3A_44 = tpu.memref_slice %arg4[%add3A, %dma_wait3A_42, %dma_wait3A_43] : memref<32x16x4xi32, #tpu.memory_space<hbm>> -> memref<1x16x4xi32, #tpu.memory_space<hbm>>
      %dma_wait3A_45 = tpu.memref_squeeze %dma_wait3A_44 : memref<1x16x4xi32, #tpu.memory_space<hbm>> -> memref<16x4xi32, #tpu.memory_space<hbm>>
      %dma_wait3A_46 = arith.constant 0 : i32
      %dma_wait3A_47 = arith.constant 0 : i32
      %dma_wait3A_48 = tpu.memref_slice %arg4[%add3A, %dma_wait3A_46, %dma_wait3A_47] : memref<32x16x4xi32, #tpu.memory_space<hbm>> -> memref<1x16x4xi32, #tpu.memory_space<hbm>>
      %dma_wait3A_49 = tpu.memref_squeeze %dma_wait3A_48 : memref<1x16x4xi32, #tpu.memory_space<hbm>> -> memref<16x4xi32, #tpu.memory_space<hbm>>
      tpu.wait_dma2 semaphore(%run_scoped3A : memref<!tpu.dma_semaphore, #tpu.memory_space<semaphore_mem>>) src(%dma_wait3A_49 : memref<16x4xi32, #tpu.memory_space<hbm>>) dst(%arg14 : memref<16x4xi32, #tpu.memory_space<vmem>>)
      tpu.yield
    }) : () -> ()
    "tpu.region"() ({
      %run_scoped3A = tpu.sem_alloc : memref<!tpu.dma_semaphore, #tpu.memory_space<semaphore_mem>>
      %dma_start3A_34 = tpu.memref_slice %arg5[%mul3A_2] : memref<2048xi32, #tpu.memory_space<hbm>> -> memref<64xi32, #tpu.memory_space<hbm>>
      %dma_start3A_35 = tpu.memref_slice %arg5[%mul3A_2] : memref<2048xi32, #tpu.memory_space<hbm>> -> memref<64xi32, #tpu.memory_space<hbm>>
      tpu.enqueue_dma source(%dma_start3A_35 : memref<64xi32, #tpu.memory_space<hbm>>) target(%arg15 : memref<64xi32, #tpu.memory_space<vmem>>) target_semaphore(%run_scoped3A : memref<!tpu.dma_semaphore, #tpu.memory_space<semaphore_mem>>)
      %dma_wait3A_36 = tpu.memref_slice %arg5[%mul3A_2] : memref<2048xi32, #tpu.memory_space<hbm>> -> memref<64xi32, #tpu.memory_space<hbm>>
      %dma_wait3A_37 = tpu.memref_slice %arg5[%mul3A_2] : memref<2048xi32, #tpu.memory_space<hbm>> -> memref<64xi32, #tpu.memory_space<hbm>>
      tpu.wait_dma2 semaphore(%run_scoped3A : memref<!tpu.dma_semaphore, #tpu.memory_space<semaphore_mem>>) src(%dma_wait3A_37 : memref<64xi32, #tpu.memory_space<hbm>>) dst(%arg15 : memref<64xi32, #tpu.memory_space<vmem>>)
      tpu.yield
    }) : () -> ()
    %dma_start3A = arith.constant 0 : i32
    %dma_start3A_25 = arith.constant 0 : i32
    %dma_start3A_26 = tpu.memref_slice %arg6[%dma_start3A, %dma_start3A_25] : memref<4096x128xf32, #tpu.memory_space<hbm>> -> memref<4096x128xf32, #tpu.memory_space<hbm>>
    tpu.enqueue_indirect_dma source(%dma_start3A_26 : memref<4096x128xf32, #tpu.memory_space<hbm>>) target(%arg16 : memref<64x128xf32, #tpu.memory_space<vmem>>) offsets(%arg15 : memref<64xi32, #tpu.memory_space<vmem>>) semaphore(%arg21 : memref<!tpu.dma_semaphore, #tpu.memory_space<semaphore_mem>>)
    %dma_wait3A = arith.constant 0 : i32
    %dma_wait3A_27 = arith.constant 0 : i32
    %dma_wait3A_28 = tpu.memref_slice %arg6[%dma_wait3A, %dma_wait3A_27] : memref<4096x128xf32, #tpu.memory_space<hbm>> -> memref<4096x128xf32, #tpu.memory_space<hbm>>
    tpu.wait_indirect_dma semaphore(%arg21 : memref<!tpu.dma_semaphore, #tpu.memory_space<semaphore_mem>>) src(%dma_wait3A_28 : memref<4096x128xf32, #tpu.memory_space<hbm>>) dst(%arg16 : memref<64x128xf32, #tpu.memory_space<vmem>>)
    "tpu.region"() ({
      %run_scoped3A = tpu.sem_alloc : memref<!tpu.dma_semaphore, #tpu.memory_space<semaphore_mem>>
      %dma_start3A_34 = arith.constant 0 : i32
      %dma_start3A_35 = tpu.memref_slice %arg9[%mul3A_2, %dma_start3A_34] : memref<2048x128xf32, #tpu.memory_space<hbm>> -> memref<64x128xf32, #tpu.memory_space<hbm>>
      %dma_start3A_36 = arith.constant 0 : i32
      %dma_start3A_37 = tpu.memref_slice %arg9[%mul3A_2, %dma_start3A_36] : memref<2048x128xf32, #tpu.memory_space<hbm>> -> memref<64x128xf32, #tpu.memory_space<hbm>>
      tpu.enqueue_dma source(%arg16 : memref<64x128xf32, #tpu.memory_space<vmem>>) target(%dma_start3A_37 : memref<64x128xf32, #tpu.memory_space<hbm>>) target_semaphore(%run_scoped3A : memref<!tpu.dma_semaphore, #tpu.memory_space<semaphore_mem>>)
      %dma_wait3A_38 = arith.constant 0 : i32
      %dma_wait3A_39 = tpu.memref_slice %arg9[%mul3A_2, %dma_wait3A_38] : memref<2048x128xf32, #tpu.memory_space<hbm>> -> memref<64x128xf32, #tpu.memory_space<hbm>>
      %dma_wait3A_40 = arith.constant 0 : i32
      %dma_wait3A_41 = tpu.memref_slice %arg9[%mul3A_2, %dma_wait3A_40] : memref<2048x128xf32, #tpu.memory_space<hbm>> -> memref<64x128xf32, #tpu.memory_space<hbm>>
      tpu.wait_dma2 semaphore(%run_scoped3A : memref<!tpu.dma_semaphore, #tpu.memory_space<semaphore_mem>>) src(%arg16 : memref<64x128xf32, #tpu.memory_space<vmem>>) dst(%dma_wait3A_41 : memref<64x128xf32, #tpu.memory_space<hbm>>)
      tpu.yield
    }) : () -> ()
    %scan3A = arith.constant 0 : i32
    %scan3A_29 = arith.constant 0 : i32
    %scan3A_30 = arith.constant 16 : i32
    %scan3A_31 = arith.addi %scan3A_29, %scan3A_30 : i32
    %scan3A_32 = arith.constant 1 : i32
    scf.for %scan3A_34 = %scan3A_29 to %scan3A_31 step %scan3A_32  : i32 {
      %dma_start3A_35 = arith.constant 0 : i32
      %dma_start3A_36 = tpu.memref_slice %arg14[%scan3A_34, %dma_start3A_35] : memref<16x4xi32, #tpu.memory_space<vmem>> -> memref<1x4xi32, #tpu.memory_space<vmem>>
      %dma_start3A_37 = tpu.memref_squeeze %dma_start3A_36 : memref<1x4xi32, #tpu.memory_space<vmem>> -> memref<4xi32, #tpu.memory_space<vmem>>
      %dma_start3A_38 = arith.constant 0 : i32
      %dma_start3A_39 = arith.constant 0 : i32
      %dma_start3A_40 = tpu.memref_slice %arg7[%dma_start3A_38, %dma_start3A_39] : memref<4096x2048xf32, #tpu.memory_space<hbm>> -> memref<4096x2048xf32, #tpu.memory_space<hbm>>
      tpu.enqueue_indirect_dma source(%dma_start3A_40 : memref<4096x2048xf32, #tpu.memory_space<hbm>>) target(%arg17 : memref<4x2048xf32, #tpu.memory_space<vmem>>) offsets(%dma_start3A_37 : memref<4xi32, #tpu.memory_space<vmem>>) semaphore(%arg21 : memref<!tpu.dma_semaphore, #tpu.memory_space<semaphore_mem>>)
      %dma_start3A_41 = arith.constant 0 : i32
      %dma_start3A_42 = tpu.memref_slice %arg14[%scan3A_34, %dma_start3A_41] : memref<16x4xi32, #tpu.memory_space<vmem>> -> memref<1x4xi32, #tpu.memory_space<vmem>>
      %dma_start3A_43 = tpu.memref_squeeze %dma_start3A_42 : memref<1x4xi32, #tpu.memory_space<vmem>> -> memref<4xi32, #tpu.memory_space<vmem>>
      %dma_start3A_44 = arith.constant 0 : i32
      %dma_start3A_45 = arith.constant 0 : i32
      %dma_start3A_46 = tpu.memref_slice %arg8[%dma_start3A_44, %dma_start3A_45] : memref<4096x8192xf32, #tpu.memory_space<hbm>> -> memref<4096x8192xf32, #tpu.memory_space<hbm>>
      tpu.enqueue_indirect_dma source(%dma_start3A_46 : memref<4096x8192xf32, #tpu.memory_space<hbm>>) target(%arg18 : memref<4x8192xf32, #tpu.memory_space<vmem>>) offsets(%dma_start3A_43 : memref<4xi32, #tpu.memory_space<vmem>>) semaphore(%arg22 : memref<!tpu.dma_semaphore, #tpu.memory_space<semaphore_mem>>)
      %dma_wait3A_47 = arith.constant 0 : i32
      %dma_wait3A_48 = tpu.memref_slice %arg14[%scan3A_34, %dma_wait3A_47] : memref<16x4xi32, #tpu.memory_space<vmem>> -> memref<1x4xi32, #tpu.memory_space<vmem>>
      %dma_wait3A_49 = tpu.memref_squeeze %dma_wait3A_48 : memref<1x4xi32, #tpu.memory_space<vmem>> -> memref<4xi32, #tpu.memory_space<vmem>>
      %dma_wait3A_50 = arith.constant 0 : i32
      %dma_wait3A_51 = arith.constant 0 : i32
      %dma_wait3A_52 = tpu.memref_slice %arg7[%dma_wait3A_50, %dma_wait3A_51] : memref<4096x2048xf32, #tpu.memory_space<hbm>> -> memref<4096x2048xf32, #tpu.memory_space<hbm>>
      tpu.wait_indirect_dma semaphore(%arg21 : memref<!tpu.dma_semaphore, #tpu.memory_space<semaphore_mem>>) src(%dma_wait3A_52 : memref<4096x2048xf32, #tpu.memory_space<hbm>>) dst(%arg17 : memref<4x2048xf32, #tpu.memory_space<vmem>>)
      %scan3A_53 = arith.constant 0 : i32
      %scan3A_54 = arith.constant 0 : i32
      %scan3A_55 = arith.constant 64 : i32
      %scan3A_56 = arith.addi %scan3A_54, %scan3A_55 : i32
      %scan3A_57 = arith.constant 2 : i32
      scf.for %scan3A_77 = %scan3A_54 to %scan3A_56 step %scan3A_57  : i32 {
        %mul3A_78 = arith.constant 16 : i32
        %mul3A_79 = arith.muli %scan3A_77, %mul3A_78 : i32
        %get3A = arith.index_cast %mul3A_79 : i32 to index
        %get3A_80 = tpu.vector_load %arg12[%get3A] {strides = array<i32>} : memref<1024xi32, #tpu.memory_space<vmem>>, vector<16xi32>,
        %broadcast_in_dim3A = arith.constant 0 : i32
        %broadcast_in_dim3A_81 = vector.broadcast %broadcast_in_dim3A : i32 to vector<16xi32>
        %gather3A = tpu.vector_load_idx %arg17[%broadcast_in_dim3A_81, %get3A_80] : memref<4x2048xf32, #tpu.memory_space<vmem>>[vector<16xi32>, vector<16xi32>], vector<16xf32>,
        %mul3A_82 = arith.constant 16 : i32
        %mul3A_83 = arith.muli %scan3A_77, %mul3A_82 : i32
        %swap3A = arith.constant 0 : i32
        %swap3A_84 = arith.index_cast %swap3A : i32 to index
        %swap3A_85 = arith.index_cast %mul3A_83 : i32 to index
        %swap3A_86 = tpu.vector_load %arg19[%swap3A_84, %swap3A_85] {strides = array<i32>} : memref<4x1024xf32, #tpu.memory_space<vmem>>, vector<16xf32>,
        tpu.vector_store %arg19[%swap3A_84, %swap3A_85], %gather3A {strides = array<i32>} : memref<4x1024xf32, #tpu.memory_space<vmem>>, vector<16xf32>,
        %broadcast_in_dim3A_87 = arith.constant 1 : i32
        %broadcast_in_dim3A_88 = vector.broadcast %broadcast_in_dim3A_87 : i32 to vector<16xi32>
        %gather3A_89 = tpu.vector_load_idx %arg17[%broadcast_in_dim3A_88, %get3A_80] : memref<4x2048xf32, #tpu.memory_space<vmem>>[vector<16xi32>, vector<16xi32>], vector<16xf32>,
        %mul3A_90 = arith.constant 16 : i32
        %mul3A_91 = arith.muli %scan3A_77, %mul3A_90 : i32
        %swap3A_92 = arith.constant 1 : i32
        %swap3A_93 = arith.index_cast %swap3A_92 : i32 to index
        %swap3A_94 = arith.index_cast %mul3A_91 : i32 to index
        %swap3A_95 = tpu.vector_load %arg19[%swap3A_93, %swap3A_94] {strides = array<i32>} : memref<4x1024xf32, #tpu.memory_space<vmem>>, vector<16xf32>,
        tpu.vector_store %arg19[%swap3A_93, %swap3A_94], %gather3A_89 {strides = array<i32>} : memref<4x1024xf32, #tpu.memory_space<vmem>>, vector<16xf32>,
        %broadcast_in_dim3A_96 = arith.constant 2 : i32
        %broadcast_in_dim3A_97 = vector.broadcast %broadcast_in_dim3A_96 : i32 to vector<16xi32>
        %gather3A_98 = tpu.vector_load_idx %arg17[%broadcast_in_dim3A_97, %get3A_80] : memref<4x2048xf32, #tpu.memory_space<vmem>>[vector<16xi32>, vector<16xi32>], vector<16xf32>,
        %mul3A_99 = arith.constant 16 : i32
        %mul3A_100 = arith.muli %scan3A_77, %mul3A_99 : i32
        %swap3A_101 = arith.constant 2 : i32
        %swap3A_102 = arith.index_cast %swap3A_101 : i32 to index
        %swap3A_103 = arith.index_cast %mul3A_100 : i32 to index
        %swap3A_104 = tpu.vector_load %arg19[%swap3A_102, %swap3A_103] {strides = array<i32>} : memref<4x1024xf32, #tpu.memory_space<vmem>>, vector<16xf32>,
        tpu.vector_store %arg19[%swap3A_102, %swap3A_103], %gather3A_98 {strides = array<i32>} : memref<4x1024xf32, #tpu.memory_space<vmem>>, vector<16xf32>,
        %broadcast_in_dim3A_105 = arith.constant 3 : i32
        %broadcast_in_dim3A_106 = vector.broadcast %broadcast_in_dim3A_105 : i32 to vector<16xi32>
        %gather3A_107 = tpu.vector_load_idx %arg17[%broadcast_in_dim3A_106, %get3A_80] : memref<4x2048xf32, #tpu.memory_space<vmem>>[vector<16xi32>, vector<16xi32>], vector<16xf32>,
        %mul3A_108 = arith.constant 16 : i32
        %mul3A_109 = arith.muli %scan3A_77, %mul3A_108 : i32
        %swap3A_110 = arith.constant 3 : i32
        %swap3A_111 = arith.index_cast %swap3A_110 : i32 to index
        %swap3A_112 = arith.index_cast %mul3A_109 : i32 to index
        %swap3A_113 = tpu.vector_load %arg19[%swap3A_111, %swap3A_112] {strides = array<i32>} : memref<4x1024xf32, #tpu.memory_space<vmem>>, vector<16xf32>,
        tpu.vector_store %arg19[%swap3A_111, %swap3A_112], %gather3A_107 {strides = array<i32>} : memref<4x1024xf32, #tpu.memory_space<vmem>>, vector<16xf32>,
        %scan3A_114 = arith.constant 1 : i32
        %scan3A_115 = arith.addi %scan3A_77, %scan3A_114 : i32
        %mul3A_116 = arith.constant 16 : i32
        %mul3A_117 = arith.muli %scan3A_115, %mul3A_116 : i32
        %get3A_118 = arith.index_cast %mul3A_117 : i32 to index
        %get3A_119 = tpu.vector_load %arg12[%get3A_118] {strides = array<i32>} : memref<1024xi32, #tpu.memory_space<vmem>>, vector<16xi32>,
        %broadcast_in_dim3A_120 = arith.constant 0 : i32
        %broadcast_in_dim3A_121 = vector.broadcast %broadcast_in_dim3A_120 : i32 to vector<16xi32>
        %gather3A_122 = tpu.vector_load_idx %arg17[%broadcast_in_dim3A_121, %get3A_119] : memref<4x2048xf32, #tpu.memory_space<vmem>>[vector<16xi32>, vector<16xi32>], vector<16xf32>,
        %mul3A_123 = arith.constant 16 : i32
        %mul3A_124 = arith.muli %scan3A_115, %mul3A_123 : i32
        %swap3A_125 = arith.constant 0 : i32
        %swap3A_126 = arith.index_cast %swap3A_125 : i32 to index
        %swap3A_127 = arith.index_cast %mul3A_124 : i32 to index
        %swap3A_128 = tpu.vector_load %arg19[%swap3A_126, %swap3A_127] {strides = array<i32>} : memref<4x1024xf32, #tpu.memory_space<vmem>>, vector<16xf32>,
        tpu.vector_store %arg19[%swap3A_126, %swap3A_127], %gather3A_122 {strides = array<i32>} : memref<4x1024xf32, #tpu.memory_space<vmem>>, vector<16xf32>,
        %broadcast_in_dim3A_129 = arith.constant 1 : i32
        %broadcast_in_dim3A_130 = vector.broadcast %broadcast_in_dim3A_129 : i32 to vector<16xi32>
        %gather3A_131 = tpu.vector_load_idx %arg17[%broadcast_in_dim3A_130, %get3A_119] : memref<4x2048xf32, #tpu.memory_space<vmem>>[vector<16xi32>, vector<16xi32>], vector<16xf32>,
        %mul3A_132 = arith.constant 16 : i32
        %mul3A_133 = arith.muli %scan3A_115, %mul3A_132 : i32
        %swap3A_134 = arith.constant 1 : i32
        %swap3A_135 = arith.index_cast %swap3A_134 : i32 to index
        %swap3A_136 = arith.index_cast %mul3A_133 : i32 to index
        %swap3A_137 = tpu.vector_load %arg19[%swap3A_135, %swap3A_136] {strides = array<i32>} : memref<4x1024xf32, #tpu.memory_space<vmem>>, vector<16xf32>,
        tpu.vector_store %arg19[%swap3A_135, %swap3A_136], %gather3A_131 {strides = array<i32>} : memref<4x1024xf32, #tpu.memory_space<vmem>>, vector<16xf32>,
        %broadcast_in_dim3A_138 = arith.constant 2 : i32
        %broadcast_in_dim3A_139 = vector.broadcast %broadcast_in_dim3A_138 : i32 to vector<16xi32>
        %gather3A_140 = tpu.vector_load_idx %arg17[%broadcast_in_dim3A_139, %get3A_119] : memref<4x2048xf32, #tpu.memory_space<vmem>>[vector<16xi32>, vector<16xi32>], vector<16xf32>,
        %mul3A_141 = arith.constant 16 : i32
        %mul3A_142 = arith.muli %scan3A_115, %mul3A_141 : i32
        %swap3A_143 = arith.constant 2 : i32
        %swap3A_144 = arith.index_cast %swap3A_143 : i32 to index
        %swap3A_145 = arith.index_cast %mul3A_142 : i32 to index
        %swap3A_146 = tpu.vector_load %arg19[%swap3A_144, %swap3A_145] {strides = array<i32>} : memref<4x1024xf32, #tpu.memory_space<vmem>>, vector<16xf32>,
        tpu.vector_store %arg19[%swap3A_144, %swap3A_145], %gather3A_140 {strides = array<i32>} : memref<4x1024xf32, #tpu.memory_space<vmem>>, vector<16xf32>,
        %broadcast_in_dim3A_147 = arith.constant 3 : i32
        %broadcast_in_dim3A_148 = vector.broadcast %broadcast_in_dim3A_147 : i32 to vector<16xi32>
        %gather3A_149 = tpu.vector_load_idx %arg17[%broadcast_in_dim3A_148, %get3A_119] : memref<4x2048xf32, #tpu.memory_space<vmem>>[vector<16xi32>, vector<16xi32>], vector<16xf32>,
        %mul3A_150 = arith.constant 16 : i32
        %mul3A_151 = arith.muli %scan3A_115, %mul3A_150 : i32
        %swap3A_152 = arith.constant 3 : i32
        %swap3A_153 = arith.index_cast %swap3A_152 : i32 to index
        %swap3A_154 = arith.index_cast %mul3A_151 : i32 to index
        %swap3A_155 = tpu.vector_load %arg19[%swap3A_153, %swap3A_154] {strides = array<i32>} : memref<4x1024xf32, #tpu.memory_space<vmem>>, vector<16xf32>,
        tpu.vector_store %arg19[%swap3A_153, %swap3A_154], %gather3A_149 {strides = array<i32>} : memref<4x1024xf32, #tpu.memory_space<vmem>>, vector<16xf32>,
      }
      %scan3A_58 = arith.constant 64 : i32
      %dma_wait3A_59 = arith.constant 0 : i32
      %dma_wait3A_60 = tpu.memref_slice %arg14[%scan3A_34, %dma_wait3A_59] : memref<16x4xi32, #tpu.memory_space<vmem>> -> memref<1x4xi32, #tpu.memory_space<vmem>>
      %dma_wait3A_61 = tpu.memref_squeeze %dma_wait3A_60 : memref<1x4xi32, #tpu.memory_space<vmem>> -> memref<4xi32, #tpu.memory_space<vmem>>
      %dma_wait3A_62 = arith.constant 0 : i32
      %dma_wait3A_63 = arith.constant 0 : i32
      %dma_wait3A_64 = tpu.memref_slice %arg8[%dma_wait3A_62, %dma_wait3A_63] : memref<4096x8192xf32, #tpu.memory_space<hbm>> -> memref<4096x8192xf32, #tpu.memory_space<hbm>>
      tpu.wait_indirect_dma semaphore(%arg22 : memref<!tpu.dma_semaphore, #tpu.memory_space<semaphore_mem>>) src(%dma_wait3A_64 : memref<4096x8192xf32, #tpu.memory_space<hbm>>) dst(%arg18 : memref<4x8192xf32, #tpu.memory_space<vmem>>)
      %scan3A_65 = arith.constant 0 : i32
      %scan3A_66 = arith.constant 0 : i32
      %scan3A_67 = arith.constant 256 : i32
      %scan3A_68 = arith.addi %scan3A_66, %scan3A_67 : i32
      %scan3A_69 = arith.constant 2 : i32
      scf.for %scan3A_77 = %scan3A_66 to %scan3A_68 step %scan3A_69  : i32 {
        %mul3A_78 = arith.constant 16 : i32
        %mul3A_79 = arith.muli %scan3A_77, %mul3A_78 : i32
        %get3A = arith.index_cast %mul3A_79 : i32 to index
        %get3A_80 = tpu.vector_load %arg13[%get3A] {strides = array<i32>} : memref<4096xi32, #tpu.memory_space<vmem>>, vector<16xi32>,
        %broadcast_in_dim3A = arith.constant 0 : i32
        %broadcast_in_dim3A_81 = vector.broadcast %broadcast_in_dim3A : i32 to vector<16xi32>
        %gather3A = tpu.vector_load_idx %arg18[%broadcast_in_dim3A_81, %get3A_80] : memref<4x8192xf32, #tpu.memory_space<vmem>>[vector<16xi32>, vector<16xi32>], vector<16xf32>,
        %mul3A_82 = arith.constant 16 : i32
        %mul3A_83 = arith.muli %scan3A_77, %mul3A_82 : i32
        %swap3A = arith.constant 0 : i32
        %swap3A_84 = arith.index_cast %swap3A : i32 to index
        %swap3A_85 = arith.index_cast %mul3A_83 : i32 to index
        %swap3A_86 = tpu.vector_load %arg20[%swap3A_84, %swap3A_85] {strides = array<i32>} : memref<4x4096xf32, #tpu.memory_space<vmem>>, vector<16xf32>,
        tpu.vector_store %arg20[%swap3A_84, %swap3A_85], %gather3A {strides = array<i32>} : memref<4x4096xf32, #tpu.memory_space<vmem>>, vector<16xf32>,
        %broadcast_in_dim3A_87 = arith.constant 1 : i32
        %broadcast_in_dim3A_88 = vector.broadcast %broadcast_in_dim3A_87 : i32 to vector<16xi32>
        %gather3A_89 = tpu.vector_load_idx %arg18[%broadcast_in_dim3A_88, %get3A_80] : memref<4x8192xf32, #tpu.memory_space<vmem>>[vector<16xi32>, vector<16xi32>], vector<16xf32>,
        %mul3A_90 = arith.constant 16 : i32
        %mul3A_91 = arith.muli %scan3A_77, %mul3A_90 : i32
        %swap3A_92 = arith.constant 1 : i32
        %swap3A_93 = arith.index_cast %swap3A_92 : i32 to index
        %swap3A_94 = arith.index_cast %mul3A_91 : i32 to index
        %swap3A_95 = tpu.vector_load %arg20[%swap3A_93, %swap3A_94] {strides = array<i32>} : memref<4x4096xf32, #tpu.memory_space<vmem>>, vector<16xf32>,
        tpu.vector_store %arg20[%swap3A_93, %swap3A_94], %gather3A_89 {strides = array<i32>} : memref<4x4096xf32, #tpu.memory_space<vmem>>, vector<16xf32>,
        %broadcast_in_dim3A_96 = arith.constant 2 : i32
        %broadcast_in_dim3A_97 = vector.broadcast %broadcast_in_dim3A_96 : i32 to vector<16xi32>
        %gather3A_98 = tpu.vector_load_idx %arg18[%broadcast_in_dim3A_97, %get3A_80] : memref<4x8192xf32, #tpu.memory_space<vmem>>[vector<16xi32>, vector<16xi32>], vector<16xf32>,
        %mul3A_99 = arith.constant 16 : i32
        %mul3A_100 = arith.muli %scan3A_77, %mul3A_99 : i32
        %swap3A_101 = arith.constant 2 : i32
        %swap3A_102 = arith.index_cast %swap3A_101 : i32 to index
        %swap3A_103 = arith.index_cast %mul3A_100 : i32 to index
        %swap3A_104 = tpu.vector_load %arg20[%swap3A_102, %swap3A_103] {strides = array<i32>} : memref<4x4096xf32, #tpu.memory_space<vmem>>, vector<16xf32>,
        tpu.vector_store %arg20[%swap3A_102, %swap3A_103], %gather3A_98 {strides = array<i32>} : memref<4x4096xf32, #tpu.memory_space<vmem>>, vector<16xf32>,
        %broadcast_in_dim3A_105 = arith.constant 3 : i32
        %broadcast_in_dim3A_106 = vector.broadcast %broadcast_in_dim3A_105 : i32 to vector<16xi32>
        %gather3A_107 = tpu.vector_load_idx %arg18[%broadcast_in_dim3A_106, %get3A_80] : memref<4x8192xf32, #tpu.memory_space<vmem>>[vector<16xi32>, vector<16xi32>], vector<16xf32>,
        %mul3A_108 = arith.constant 16 : i32
        %mul3A_109 = arith.muli %scan3A_77, %mul3A_108 : i32
        %swap3A_110 = arith.constant 3 : i32
        %swap3A_111 = arith.index_cast %swap3A_110 : i32 to index
        %swap3A_112 = arith.index_cast %mul3A_109 : i32 to index
        %swap3A_113 = tpu.vector_load %arg20[%swap3A_111, %swap3A_112] {strides = array<i32>} : memref<4x4096xf32, #tpu.memory_space<vmem>>, vector<16xf32>,
        tpu.vector_store %arg20[%swap3A_111, %swap3A_112], %gather3A_107 {strides = array<i32>} : memref<4x4096xf32, #tpu.memory_space<vmem>>, vector<16xf32>,
        %scan3A_114 = arith.constant 1 : i32
        %scan3A_115 = arith.addi %scan3A_77, %scan3A_114 : i32
        %mul3A_116 = arith.constant 16 : i32
        %mul3A_117 = arith.muli %scan3A_115, %mul3A_116 : i32
        %get3A_118 = arith.index_cast %mul3A_117 : i32 to index
        %get3A_119 = tpu.vector_load %arg13[%get3A_118] {strides = array<i32>} : memref<4096xi32, #tpu.memory_space<vmem>>, vector<16xi32>,
        %broadcast_in_dim3A_120 = arith.constant 0 : i32
        %broadcast_in_dim3A_121 = vector.broadcast %broadcast_in_dim3A_120 : i32 to vector<16xi32>
        %gather3A_122 = tpu.vector_load_idx %arg18[%broadcast_in_dim3A_121, %get3A_119] : memref<4x8192xf32, #tpu.memory_space<vmem>>[vector<16xi32>, vector<16xi32>], vector<16xf32>,
        %mul3A_123 = arith.constant 16 : i32
        %mul3A_124 = arith.muli %scan3A_115, %mul3A_123 : i32
        %swap3A_125 = arith.constant 0 : i32
        %swap3A_126 = arith.index_cast %swap3A_125 : i32 to index
        %swap3A_127 = arith.index_cast %mul3A_124 : i32 to index
        %swap3A_128 = tpu.vector_load %arg20[%swap3A_126, %swap3A_127] {strides = array<i32>} : memref<4x4096xf32, #tpu.memory_space<vmem>>, vector<16xf32>,
        tpu.vector_store %arg20[%swap3A_126, %swap3A_127], %gather3A_122 {strides = array<i32>} : memref<4x4096xf32, #tpu.memory_space<vmem>>, vector<16xf32>,
        %broadcast_in_dim3A_129 = arith.constant 1 : i32
        %broadcast_in_dim3A_130 = vector.broadcast %broadcast_in_dim3A_129 : i32 to vector<16xi32>
        %gather3A_131 = tpu.vector_load_idx %arg18[%broadcast_in_dim3A_130, %get3A_119] : memref<4x8192xf32, #tpu.memory_space<vmem>>[vector<16xi32>, vector<16xi32>], vector<16xf32>,
        %mul3A_132 = arith.constant 16 : i32
        %mul3A_133 = arith.muli %scan3A_115, %mul3A_132 : i32
        %swap3A_134 = arith.constant 1 : i32
        %swap3A_135 = arith.index_cast %swap3A_134 : i32 to index
        %swap3A_136 = arith.index_cast %mul3A_133 : i32 to index
        %swap3A_137 = tpu.vector_load %arg20[%swap3A_135, %swap3A_136] {strides = array<i32>} : memref<4x4096xf32, #tpu.memory_space<vmem>>, vector<16xf32>,
        tpu.vector_store %arg20[%swap3A_135, %swap3A_136], %gather3A_131 {strides = array<i32>} : memref<4x4096xf32, #tpu.memory_space<vmem>>, vector<16xf32>,
        %broadcast_in_dim3A_138 = arith.constant 2 : i32
        %broadcast_in_dim3A_139 = vector.broadcast %broadcast_in_dim3A_138 : i32 to vector<16xi32>
        %gather3A_140 = tpu.vector_load_idx %arg18[%broadcast_in_dim3A_139, %get3A_119] : memref<4x8192xf32, #tpu.memory_space<vmem>>[vector<16xi32>, vector<16xi32>], vector<16xf32>,
        %mul3A_141 = arith.constant 16 : i32
        %mul3A_142 = arith.muli %scan3A_115, %mul3A_141 : i32
        %swap3A_143 = arith.constant 2 : i32
        %swap3A_144 = arith.index_cast %swap3A_143 : i32 to index
        %swap3A_145 = arith.index_cast %mul3A_142 : i32 to index
        %swap3A_146 = tpu.vector_load %arg20[%swap3A_144, %swap3A_145] {strides = array<i32>} : memref<4x4096xf32, #tpu.memory_space<vmem>>, vector<16xf32>,
        tpu.vector_store %arg20[%swap3A_144, %swap3A_145], %gather3A_140 {strides = array<i32>} : memref<4x4096xf32, #tpu.memory_space<vmem>>, vector<16xf32>,
        %broadcast_in_dim3A_147 = arith.constant 3 : i32
        %broadcast_in_dim3A_148 = vector.broadcast %broadcast_in_dim3A_147 : i32 to vector<16xi32>
        %gather3A_149 = tpu.vector_load_idx %arg18[%broadcast_in_dim3A_148, %get3A_119] : memref<4x8192xf32, #tpu.memory_space<vmem>>[vector<16xi32>, vector<16xi32>], vector<16xf32>,
        %mul3A_150 = arith.constant 16 : i32
        %mul3A_151 = arith.muli %scan3A_115, %mul3A_150 : i32
        %swap3A_152 = arith.constant 3 : i32
        %swap3A_153 = arith.index_cast %swap3A_152 : i32 to index
        %swap3A_154 = arith.index_cast %mul3A_151 : i32 to index
        %swap3A_155 = tpu.vector_load %arg20[%swap3A_153, %swap3A_154] {strides = array<i32>} : memref<4x4096xf32, #tpu.memory_space<vmem>>, vector<16xf32>,
        tpu.vector_store %arg20[%swap3A_153, %swap3A_154], %gather3A_149 {strides = array<i32>} : memref<4x4096xf32, #tpu.memory_space<vmem>>, vector<16xf32>,
      }
      %scan3A_70 = arith.constant 256 : i32
      %mul3A_71 = arith.constant 4 : i32
      %mul3A_72 = arith.muli %scan3A_34, %mul3A_71 : i32
      %add3A_73 = arith.addi %mul3A_2, %mul3A_72 : i32
      "tpu.region"() ({
        %run_scoped3A = tpu.sem_alloc : memref<!tpu.dma_semaphore, #tpu.memory_space<semaphore_mem>>
        %dma_start3A_77 = arith.constant 0 : i32
        %dma_start3A_78 = tpu.memref_slice %arg10[%add3A_73, %dma_start3A_77] : memref<2048x1024xf32, #tpu.memory_space<hbm>> -> memref<4x1024xf32, #tpu.memory_space<hbm>>
        %dma_start3A_79 = arith.constant 0 : i32
        %dma_start3A_80 = tpu.memref_slice %arg10[%add3A_73, %dma_start3A_79] : memref<2048x1024xf32, #tpu.memory_space<hbm>> -> memref<4x1024xf32, #tpu.memory_space<hbm>>
        tpu.enqueue_dma source(%arg19 : memref<4x1024xf32, #tpu.memory_space<vmem>>) target(%dma_start3A_80 : memref<4x1024xf32, #tpu.memory_space<hbm>>) target_semaphore(%run_scoped3A : memref<!tpu.dma_semaphore, #tpu.memory_space<semaphore_mem>>)
        %dma_wait3A_81 = arith.constant 0 : i32
        %dma_wait3A_82 = tpu.memref_slice %arg10[%add3A_73, %dma_wait3A_81] : memref<2048x1024xf32, #tpu.memory_space<hbm>> -> memref<4x1024xf32, #tpu.memory_space<hbm>>
        %dma_wait3A_83 = arith.constant 0 : i32
        %dma_wait3A_84 = tpu.memref_slice %arg10[%add3A_73, %dma_wait3A_83] : memref<2048x1024xf32, #tpu.memory_space<hbm>> -> memref<4x1024xf32, #tpu.memory_space<hbm>>
        tpu.wait_dma2 semaphore(%run_scoped3A : memref<!tpu.dma_semaphore, #tpu.memory_space<semaphore_mem>>) src(%arg19 : memref<4x1024xf32, #tpu.memory_space<vmem>>) dst(%dma_wait3A_84 : memref<4x1024xf32, #tpu.memory_space<hbm>>)
        tpu.yield
      }) : () -> ()
      %mul3A_74 = arith.constant 4 : i32
      %mul3A_75 = arith.muli %scan3A_34, %mul3A_74 : i32
      %add3A_76 = arith.addi %mul3A_2, %mul3A_75 : i32
      "tpu.region"() ({
        %run_scoped3A = tpu.sem_alloc : memref<!tpu.dma_semaphore, #tpu.memory_space<semaphore_mem>>
        %dma_start3A_77 = arith.constant 0 : i32
        %dma_start3A_78 = tpu.memref_slice %arg11[%add3A_76, %dma_start3A_77] : memref<2048x4096xf32, #tpu.memory_space<hbm>> -> memref<4x4096xf32, #tpu.memory_space<hbm>>
        %dma_start3A_79 = arith.constant 0 : i32
        %dma_start3A_80 = tpu.memref_slice %arg11[%add3A_76, %dma_start3A_79] : memref<2048x4096xf32, #tpu.memory_space<hbm>> -> memref<4x4096xf32, #tpu.memory_space<hbm>>
        tpu.enqueue_dma source(%arg20 : memref<4x4096xf32, #tpu.memory_space<vmem>>) target(%dma_start3A_80 : memref<4x4096xf32, #tpu.memory_space<hbm>>) target_semaphore(%run_scoped3A : memref<!tpu.dma_semaphore, #tpu.memory_space<semaphore_mem>>)
        %dma_wait3A_81 = arith.constant 0 : i32
        %dma_wait3A_82 = tpu.memref_slice %arg11[%add3A_76, %dma_wait3A_81] : memref<2048x4096xf32, #tpu.memory_space<hbm>> -> memref<4x4096xf32, #tpu.memory_space<hbm>>
        %dma_wait3A_83 = arith.constant 0 : i32
        %dma_wait3A_84 = tpu.memref_slice %arg11[%add3A_76, %dma_wait3A_83] : memref<2048x4096xf32, #tpu.memory_space<hbm>> -> memref<4x4096xf32, #tpu.memory_space<hbm>>
        tpu.wait_dma2 semaphore(%run_scoped3A : memref<!tpu.dma_semaphore, #tpu.memory_space<semaphore_mem>>) src(%arg20 : memref<4x4096xf32, #tpu.memory_space<vmem>>) dst(%dma_wait3A_84 : memref<4x4096xf32, #tpu.memory_space<hbm>>)
        tpu.yield
      }) : () -> ()
    }
    %scan3A_33 = arith.constant 16 : i32
    return
  }
}

</mosaic_0001>

<sc_bundles>
// kernel: _sc_pool.3.cloned.1.call-start
scs
__scs_entry_jumppad:
0x0: {  	(pc) =	sbr.rel $0x88, $3  }
0x1: {  	(tag) =	ssettag $0x0;
	lr =	simm.s32 $0x1  }
0x2: {  	[smem:$0x3F9A] =	sst lr;
	_ =	strace $0xD0000000  }
0x3: {  	_ = 	snop  }
0x4: {  	_ = 	snop  }
0x5: {  	_ = 	snop  }
0x6: {  	_ = 	snop  }
0x7: {  	_ = 	snop  }
__scs_overlays_trampoline_lowered:
0x8: {  	[smem:$0x3FA9] =	sst s0  }
0x9: {  	[smem:$0x3FAA] =	sst s1  }
0xa: {  	[smem:$0x3FAB] =	sst s2  }
0xb: {  	[smem:$0x3FAC] =	sst s3  }
0xc: {  	[smem:$0x3FAD] =	sst s4  }
0xd: {  	[smem:$0x3FAE] =	sst s5  }
0xe: {  	[smem:$0x3FAF] =	sst s6  }
0xf: {  	[smem:$0x3FB0] =	sst s7  }
0x10: {  	[smem:$0x3FB1] =	sst s8  }
0x11: {  	[smem:$0x3FB2] =	sst s9;
	s0 =	simm.s32 @!p0 $0x0  }
0x12: {  	s1 =	sld [smem:$0x3F98];
	s0 =	simm.s32 @p0 $0x1  }
0x13: {  	[smem:$0x3FB3] =	sst s0;
	s0 =	simm.s32 @!p1 $0x0  }
0x14: {  	s2 =	sld [smem:$0x3F97];
	s0 =	simm.s32 @p1 $0x1  }
0x15: {  	[smem:$0x3FB4] =	sst s0;
	s0 =	simm.s32 @!p2 $0x0  }
0x16: {  	s3 =	sld [smem:$0x3FDB];
	s0 =	simm.s32 @p2 $0x1  }
0x17: {  	s4 =	simm.s32 $0x1BF5;
	[smem:$0x3FB6] =	sst s0  }
0x18: {  	s0 =	sld [smem:$0x3F99];
	_ =	swait.ge [sflag:s4], $0x0  }
0x19: {  	s7 =	sld [smem:$0x3F9A]  }
0x1a: {  	s8 =	sadd.s32 $0xFFFFE003, lr  }
0x1b: {  	s9 =	sadd.s32 $0xFFFFFEF7, lr;
	s5 =	simm.s32 $0xFFFFFFFF;
	p2 =	slt.u32 s8, $0xFFFFF086  }
0x1c: {  	p1 =	slt.u32 s9, $0xF7A;
	s5 =	simm.s32 @!p2 $0x0  }
0x1d: {  	s5 =	simm.s32 @p1 $0x1;
	p0 =	seq.s32 s7, s2  }
0x1e: {  	s7 =	smul.u32 @!p0 $0xF7A, s2;
	p2 =	seq.s32 @!p0 s5, $0x0  }
0x1f: {  	s9 =	smul.u32 $0xF7A, s1;
	s8 =	simm.s32 @!p0 $0x1BF5;
	p2 =	por !p2, p0  }
0x20: {  	[sflag:s8] =	ssyncset.s32 @!p0 $0xFFFFF086;
	s6 =	sadd.s32 @!p0 s3, s7;
	s7 =	simm.s32 @!p0 $0x108  }
0x21: {  	s3 =	sadd.s32 s3, s9;
	s6 =	sadd.s32 @!p0 $0x88, s6;
	s7 =	simm.s32 @p2 $0x1082  }
0x22: {  	[simem:s7], [sflag:s8] =	dma.local @!p0 [hbm:s6], $0xF7A  }
0x23: {  	s9 =	sor.u32 $0xD0000000, s2;
	s6 =	simm.s32 $0x108;
	_ =	swait.ge @!p0 [sflag:s8], $0x0  }
0x24: {  	s3 =	sadd.s32 $0x88, s3;
	s6 =	simm.s32 @!p1 $0x1082;
	[sflag:s4] =	ssyncset.s32 $0xFFFFF086  }
0x25: {  	[simem:s6], [sflag:s4] =	dma.local [hbm:s3], $0xF7A  }
0x26: {  	[smem:$0x3F9A] =	sst s1;
	(tag) =	ssettag s2;
	_ =	strace s9  }
0x27: {  	s1 =	sld [smem:$0x3FAA]  }
0x28: {  	s2 =	sld [smem:$0x3FAB]  }
0x29: {  	s4 =	sld [smem:$0x3FAD]  }
0x2a: {  	p0 =	seq.s32 s5, $0x0;
	s5 =	sld [smem:$0x3FAE]  }
0x2b: {  	s6 =	sld [smem:$0x3FAF]  }
0x2c: {  	s7 =	sld [smem:$0x3FB0]  }
0x2d: {  	s3 =	simm.s32 $0x108;
	s8 =	sld [smem:$0x3FB1]  }
0x2e: {  	s3 =	simm.s32 @!p0 $0x1082;
	s9 =	sld [smem:$0x3FB2]  }
0x2f: {  	lr =	sadd.s32 s0, s3;
	s0 =	sld [smem:$0x3FA9]  }
0x30: {  	s3 =	sld [smem:$0x3FAC]  }
0x31: {  	[smem:$0x3FB5] =	sst s10  }
0x32: {  	s10 =	sld [smem:$0x3FB3];
	_ =	sdelay $0x3  }
0x33: {  	p0 =	seq.s32 s10, $0x1;
	s10 =	sld [smem:$0x3FB5];
	_ =	sdelay $0x3  }
0x34: {  	[smem:$0x3FB5] =	sst s10  }
0x35: {  	s10 =	sld [smem:$0x3FB4];
	_ =	sdelay $0x3  }
0x36: {  	p1 =	seq.s32 s10, $0x1;
	s10 =	sld [smem:$0x3FB5];
	_ =	sdelay $0x3  }
0x37: {  	[smem:$0x3FB5] =	sst s10  }
0x38: {  	s10 =	sld [smem:$0x3FB6]  }
0x39: {  	_ = 	snop;
	(pc) =	sbr.ind lr, $3  }
0x3a: {  	_ = 	snop  }
0x3b: {  	_ = 	snop  }
0x3c: {  	p2 =	seq.s32 s10, $0x1;
	s10 =	sld [smem:$0x3FB5]  }
0x3d: {  	_ =	shalt  }
0x3e: {  	_ =	shalt  }
0x3f: {  	_ =	shalt  }
0x40: {  	_ =	shalt  }
0x41: {  	_ =	shalt  }
0x42: {  	_ =	shalt  }
0x43: {  	_ =	shalt  }
0x44: {  	_ =	shalt  }
0x45: {  	_ =	shalt  }
0x46: {  	_ =	shalt  }
0x47: {  	_ =	shalt  }
0x48: {  	_ =	shalt  }
0x49: {  	_ =	shalt  }
0x4a: {  	_ =	shalt  }
0x4b: {  	_ =	shalt  }
0x4c: {  	_ =	shalt  }
0x4d: {  	_ =	shalt  }
0x4e: {  	_ =	shalt  }
0x4f: {  	_ =	shalt  }
0x50: {  	_ =	shalt  }
0x51: {  	_ =	shalt  }
0x52: {  	_ =	shalt  }
0x53: {  	_ =	shalt  }
0x54: {  	_ =	shalt  }
0x55: {  	_ =	shalt  }
0x56: {  	_ =	shalt  }
0x57: {  	_ =	shalt  }
0x58: {  	_ =	shalt  }
0x59: {  	_ =	shalt  }
0x5a: {  	_ =	shalt  }
0x5b: {  	_ =	shalt  }
0x5c: {  	_ =	shalt  }
0x5d: {  	_ =	shalt  }
0x5e: {  	_ =	shalt  }
0x5f: {  	_ =	shalt  }
0x60: {  	_ =	shalt  }
0x61: {  	_ =	shalt  }
0x62: {  	_ =	shalt  }
0x63: {  	_ =	shalt  }
0x64: {  	_ =	shalt  }
0x65: {  	_ =	shalt  }
0x66: {  	_ =	shalt  }
0x67: {  	_ =	shalt  }
0x68: {  	_ =	shalt  }
0x69: {  	_ =	shalt  }
0x6a: {  	_ =	shalt  }
0x6b: {  	_ =	shalt  }
0x6c: {  	_ =	shalt  }
0x6d: {  	_ =	shalt  }
0x6e: {  	_ =	shalt  }
0x6f: {  	_ =	shalt  }
0x70: {  	_ =	shalt  }
0x71: {  	_ =	shalt  }
0x72: {  	_ =	shalt  }
0x73: {  	_ =	shalt  }
0x74: {  	_ =	shalt  }
0x75: {  	_ =	shalt  }
0x76: {  	_ =	shalt  }
0x77: {  	_ =	shalt  }
0x78: {  	_ =	shalt  }
0x79: {  	_ =	shalt  }
0x7a: {  	_ =	shalt  }
0x7b: {  	_ =	shalt  }
0x7c: {  	_ =	shalt  }
0x7d: {  	_ =	shalt  }
0x7e: {  	_ =	shalt  }
0x7f: {  	_ =	shalt  }
0x80: {  	_ =	shalt  }
0x81: {  	_ =	shalt  }
0x82: {  	_ =	shalt  }
0x83: {  	_ =	shalt  }
0x84: {  	_ =	shalt  }
0x85: {  	_ =	shalt  }
0x86: {  	_ =	shalt  }
0x87: {  	_ =	shalt  }
.Lfunc_end0:
.L_simem_size_0:
called_computation_lowered:
.L_overlay_start_0:
0x88: {  	s2 =	sld [smem:$0x3FD9]  }
0x89: {  	s3 =	sld [smem:$0x3FFE];
	_ =	sdelay $0x1  }
0x8a: {  	s1 =	srdreg.scid  }
0x8b: {  	s0 =	sand.u32 $0x1, s1  }
0x8c: {  	s30 =	sshll.u32 s0, $0xA;
	s2 =	sadd.s32 s3, s2  }
0x8d: {  	s2 =	sadd.s32 s2, s30  }
0x8e: {  	[smem:$0x3FC1] =	sst s2  }
0x8f: {  	_ = 	snop  }
0x90: {  	s2 =	sld [smem:$0x3FC9]  }
0x91: {  	s31 =	sld [smem:$0x3FC8]  }
0x92: {  	s4 =	sld [smem:$0x3FC6]  }
0x93: {  	s5 =	sld [smem:$0x3FD0]  }
0x94: {  	s6 =	sld [smem:$0x3FC5]  }
0x95: {  	s7 =	sld [smem:$0x3FC4]  }
0x96: {  	s9 =	simm.s32 $0xA;
	s10 =	simm.s32 $0x10;
	s8 =	sld [smem:$0x3FC3]  }
0x97: {  	[smem:s10], [sflag:s9] =	dma.local [hbm:s5], $0x1  }
0x98: {  	_ =	swait.eq [sflag:s9], $0x1  }
0x99: {  	s16 =	sld [smem:$0x10];
	[sflag:s9] =	ssyncset.done $0x0  }
0x9a: {  	s17 =	sld [smem:$0x11];
	[sflag:s9] =	ssyncadd.s32 $0xFFFFFFFF  }
0x9b: {  	s18 =	sld [smem:$0x12];
	(tm) =	ssettm $0x1  }
0x9c: {  	s11 =	sld [smem:$0x3FFB];
	_ =	sdelay $0x3  }
0x9d: {  	_ =	strace s11  }
0x9e: {  	s11 =	sld [smem:$0x3FFC];
	_ =	sdelay $0x3  }
0x9f: {  	_ =	strace s11  }
0xa0: {  	s11 =	sld [smem:$0x3FFD];
	_ =	sdelay $0x3  }
0xa1: {  	_ =	strace s11  }
0xa2: {  	_ =	strace $0x8FFFFFFF  }
0xa3: {  	s19 =	sld [smem:$0x3FDB];
	_ =	sdelay $0x1  }
0xa4: {  	s12 =	simm.s32 $_scs_section_size  }
0xa5: {  	s13 =	simm.s32 $_size__tile_overlayer_lowered;
	s14 =	simm.s32 $_tile_overlayer_lowered  }
0xa6: {  	s22 =	simm.s32 $0x1BFF;
	s21 =	sshll.u32 s14, $0x1;
	s11 =	sadd.s32 s12, s19  }
0xa7: {  	s15 =	simm.s32 $0x0;
	s20 =	sshll.u32 s13, $0x1;
	s13 =	sadd.s32 s21, s11  }
0xa8: {  	[timem:s15], [sflag:s22] =	dma.local [hbm:s13], s20  }
0xa9: {  	_ =	swait.ge [sflag:s22], s20  }
0xaa: {  	s12 =	ssub.s32 $0x0, s20;
	[sflag:s22] =	ssyncset.done $0x0  }
0xab: {  	[sflag:s22] =	ssyncadd.s32 s12;
	_ =	sdelay $0x1  }
0xac: {  	s23 =	simm.s32 $0x1B8B  }
0xad: {  	_ =	swait.ge [sflag:s23], $0x1  }
0xae: {  	[sflag:s23] =	ssyncset.done $0x0  }
0xaf: {  	s25 =	simm.s32 $0x1B8E;
	s24 =	sld [smem:$0x3FFE];
	[sflag:s23] =	ssyncadd.s32 $0xFFFFFFFF  }
0xb0: {  	s26 =	simm.s32 $execute0_lowered;
	[smem:$0x3FD2] =	sst s25  }
0xb1: {  	s13 =	sshll.u32 s26, $0x1;
	_ =	strace $0x80000046;
	[dreg:$0x1] =	wrdreg $0xFFFFFFFF  }
0xb2: {  	s28 =	simm.s32 $_size_execute0_lowered;
	s11 =	sadd.s32 s11, s13;
	[dreg:$0x0] =	wrdreg $0x0  }
0xb3: {  	s13 =	sshll.u32 s28, $0x1;
	[dreg:$0x2] =	wrdreg s11  }
0xb4: {  	[dreg:$0x3] =	wrdreg s13  }
0xb5: {  	[dreg:$0x4] =	wrdreg $0xC0  }
0xb6: {  	_ =	task [dreg:s15], $0x5FFFF  }
0xb7: {  	[dreg:$0x1] =	wrdreg $0xFFFFFFFF  }
0xb8: {  	[dreg:$0x0] =	wrdreg $0x60  }
0xb9: {  	[dreg:$0x2] =	wrdreg s2  }
0xba: {  	[dreg:$0x3] =	wrdreg s31  }
0xbb: {  	[dreg:$0x4] =	wrdreg s24  }
0xbc: {  	[dreg:$0x5] =	wrdreg s4  }
0xbd: {  	[dreg:$0x6] =	wrdreg s6  }
0xbe: {  	[dreg:$0x7] =	wrdreg s7  }
0xbf: {  	[dreg:$0x8] =	wrdreg s8  }
0xc0: {  	[dreg:$0x9] =	wrdreg s16  }
0xc1: {  	[dreg:$0xa] =	wrdreg s17  }
0xc2: {  	[dreg:$0xb] =	wrdreg s18  }
0xc3: {  	[dreg:$0xc] =	wrdreg $0x9  }
0xc4: {  	_ =	task.clear_ibuf [dreg:s15], $0xDFFFF;
	_ =	strace $0x90000046  }
0xc5: {  	s29 =	simm.s32 $0x9;
	_ =	strace $0x80000048  }
0xc6: {  	_ =	swait.ge [sflag:s29], $0x1  }
0xc7: {  	[sflag:s29] =	ssyncadd.s32 $0xFFFFFFFF  }
0xc8: {  	_ =	strace $0x90000048  }
0xc9: {  	_ =	sfence  }
0xca: {  	s30 =	sld [smem:$0x0];
	_ =	sdelay $0x2  }
0xcb: {  	s31 =	sshll.u32 s1, $0xD;
	s1 =	sshrl.u32 s1, $0x2  }
0xcc: {  	s3 =	sand.u32 $0x4000, s31;
	s1 =	sadd.s32 s1, s30  }
0xcd: {  	s0 =	sor.u32 s3, s0;
	s1 =	sshll.u32 s1, $0x11  }
0xce: {  	s0 =	sor.u32 s1, s0  }
0xcf: {  	s0 =	sadd.s32 $0x8F2B, s0  }
0xd0: {  	[sflag:s0] =	ssyncadd.remote.s32 $0x1  }
0xd1: {  	_ =	sfence.sel $0xFFFF  }
0xd2: {  	[dreg:$0x0] =	wrdreg $0xFFFFFFFF;
	(pc) =	sbr.abs _section_cstart, $3  }
0xd3: {  	[dreg:$0x1] =	wrdreg $0xFFFFFFFF  }
0xd4: {  	_ =	task.clear_ibuf [dreg:s15], $0x2FFFF;
	_ =	strace $0x9FFFFFFF  }
0xd5: {  	(tm) =	ssettm $0x7FFFFFFF  }
tec
execute0_lowered:
.L_overlay_start_1:
0x0: {  	(tag) =	ssettag $0x1  }
0x1: {  	s0 =	rddreg [dreg:$0x0]  }
0x2: {  	s1 =	rddreg [dreg:$0x1]  }
0x3: {  	s2 =	rddreg [dreg:$0x2]  }
0x4: {  	s3 =	rddreg [dreg:$0x3]  }
0x5: {  	s10 =	rddreg [dreg:$0x5]  }
0x6: {  	s11 =	rddreg [dreg:$0x6]  }
0x7: {  	s4 =	rddreg [dreg:$0x7]  }
0x8: {  	s6 =	simm.s32 $0x0;
	s5 =	srdreg.scid;
	s9 =	stileid.u32  }
0x9: {  	s12 =	simm.s32 $0x1;
	s13 =	simm.s32 $0x3C80;
	[smem:$0x7FF] =	sst s6  }
0xa: {  	s5 =	sand.u32 $0x1, s5;
	s14 =	sshll.u32 s9, $0x1;
	s9 =	sshrl.u32 s9, $0x3  }
0xb: {  	s21 =	sadd.s32 $0x200, s10;
	s22 =	sadd.s32 $0x400, s10;
	s23 =	sadd.s32 $0x600, s10  }
0xc: {  	s24 =	sadd.s32 $0x200, s11;
	s25 =	sadd.s32 $0x400, s11;
	s28 =	sadd.s32 $0x1400, s11  }
0xd: {  	s29 =	sadd.s32 $0x1600, s11;
	_ =	strace $0x80000047;
	[dreg:$0x11] =	wrdreg s21  }
0xe: {  	s30 =	sadd.s32 $0x1800, s11;
	s31 =	sadd.s32 $0x1A00, s11;
	[dreg:$0x12] =	wrdreg s22  }
0xf: {  	s6 =	sor.u32 s5, s14;
	s5 =	ssub.s32 $0x2, s5;
	[dreg:$0x13] =	wrdreg s23  }
0x10: {  	s15 =	sshll.u32 s9, $0x7;
	s17 =	sshll.u32 s9, $0x9;
	[dreg:$0x14] =	wrdreg s24  }
0x11: {  	[dreg:$0x15] =	wrdreg s25;
	s21 =	sadd.s32 $0xA00, s11;
	s22 =	sadd.s32 $0xC00, s11  }
0x12: {  	s23 =	sadd.s32 $0xE00, s11;
	s24 =	sadd.s32 $0x1000, s11;
	s9 =	simm.s32 $0x400  }
0x13: {  	s7 =	sshll.u32 s6, $0x8;
	s8 =	sshrl.u32 s5, $0x1;
	s16 =	sshll.u32 s6, $0x6  }
0x14: {  	s0 =	sadd.s32 s0, s15;
	s18 =	sshll.u32 s6, $0x3;
	s19 =	sshll.u32 s6, $0xA  }
0x15: {  	s6 =	simm.s32 $0x200;
	s2 =	sadd.s32 s7, s2;
	[dreg:$0xb] =	wrdreg s16  }
0x16: {  	s5 =	ssub.s32 s5, s8;
	[dreg:$0xc] =	wrdreg s0;
	s0 =	sadd.s32 s1, s17  }
0x17: {  	s20 =	sadd.s32 s4, s19;
	s19 =	sadd.s32 $0x600, s11;
	s1 =	simm.s32 $0x3  }
0x18: {  	s7 =	simm.s32 $0x5C80;
	s4 =	simm.s32 $0x2;
	[dreg:$0xd] =	wrdreg s0  }
0x19: {  	s2 =	sadd.s32 $0x600, s2;
	s0 =	sadd.s32 s3, s18;
	[dreg:$0x10] =	wrdreg s20  }
0x1a: {  	v0 =	vlaneseq.u32;
	s20 =	sadd.s32 $0x800, s11;
	s26 =	smax.u32 s5, $0x1;
	[dreg:$0xe] =	wrdreg s2  }
0x1b: {  	v1 =	vshrl.u32 v0, $0x2;
	s5 =	sadd.s32 $0x1E00, s11;
	s3 =	simm.s32 $0x0;
	[dreg:$0xf] =	wrdreg s0  }
0x1c: {  	vm0 =	vmmov $0xffff;
	v0 =	vand.u32 $0x3, v0;
	v1 =	vmul.u32 $0x8, v1;
	[dreg:$0x16] =	wrdreg s26;
	s26 =	sadd.s32 $0x1200, s11;
	s0 =	sadd.s32 $0x1C00, s11  }
.LBB2_1:
0x1d: {  	[dreg:$0x17] =	wrdreg s3  }
0x1e: {  	s3 =	simm.s32 $0x0;
	s2 =	rddreg [dreg:$0xc]  }
0x1f: {  	[tilespmem:s3], [sflag:$0x3] =	stream.linear.gather [hbm4b:s2+s3], $0x400, $0x38;
	[tilespmem:$0x12C80] =	vst v63  }
0x20: {  	_ =	swait.ge [sflag:s1], $0x400  }
0x21: {  	[sflag:s1] =	ssyncset.done $0x0  }
0x22: {  	s14 =	rddreg [dreg:$0xd];
	[sflag:s1] =	ssyncadd.s32 $0xFFFFFC00  }
0x23: {  	[tilespmem:s9], [sflag:$0x3] =	stream.linear.gather [hbm4b:s14+s3], $0x1000, $0x38;
	[tilespmem:$0x12C80] =	vst v63  }
0x24: {  	_ =	swait.ge [sflag:s1], $0x1000  }
0x25: {  	[sflag:s1] =	ssyncset.done $0x0  }
0x26: {  	s8 =	simm.s32 $0x1400;
	s15 =	rddreg [dreg:$0xe];
	[sflag:s1] =	ssyncadd.s32 $0xFFFFF000  }
0x27: {  	[tilespmem:s8], [sflag:$0x3] =	stream.linear.gather [hbm4b:s15+s3], $0x800, $0x38;
	[tilespmem:$0x12C80] =	vst v63  }
0x28: {  	_ =	swait.ge [sflag:s1], $0x800  }
0x29: {  	[sflag:s1] =	ssyncset.done $0x0  }
0x2a: {  	s17 =	simm.s32 $0x1C00;
	s16 =	rddreg [dreg:$0xf];
	[sflag:s1] =	ssyncadd.s32 $0xFFFFF800  }
0x2b: {  	[tilespmem:s17], [sflag:$0x3] =	stream.linear.gather [hbm4b:s16+s3], $0x40, $0x38;
	[tilespmem:$0x12C80] =	vst v63  }
0x2c: {  	_ =	swait.ge [sflag:s1], $0x40  }
0x2d: {  	[sflag:s1] =	ssyncset.done $0x0  }
0x2e: {  	[sflag:s1] =	ssyncadd.s32 $0xFFFFFFC0  }
0x2f: {  	s10 =	simm.s32 $0x40;
	s11 =	simm.s32 $0x1C80;
	s18 =	rddreg [dreg:$0x4]  }
0x30: {  	[tilespmem:s11], [sflag:$0x1] =	stream.indirect.gather [hbm4b:s18+s10], $0x80, s17, s10, $0xb8;
	[tilespmem:$0x12C80] =	vst v63  }
0x31: {  	_ =	swait.ge [sflag:s12], $0x2000  }
0x32: {  	[sflag:s12] =	ssyncset.done $0x0  }
0x33: {  	s25 =	rddreg [dreg:$0x10];
	[sflag:s12] =	ssyncadd.s32 $0xFFFFE000  }
0x34: {  	[hbm4b:s25+s3] =	stream.linear.scatter [tilespmem:s11], [sflag:$0x3], $0x2000, $0x38;
	[tilespmem:$0x12C80] =	vst v63  }
0x35: {  	_ =	swait.ge [sflag:s1], $0x2000  }
0x36: {  	[sflag:s1] =	ssyncset.done $0x0  }
0x37: {  	s10 =	simm.s32 $0x0;
	[sflag:s1] =	ssyncadd.s32 $0xFFFFE000  }
.LBB2_2:
0x38: {  	s11 =	sshll.u32 s10, $0x9  }
0x39: {  	s3 =	sshrl.u32 s11, $0x2  }
0x3a: {  	v2 =	vld.msk [tilespmem:s3+$0x1400], $0xf;
	_ =	sdelay $0x4  }
0x3b: {  	v3 =	vshll.u32 v2, $0x4  }
0x3c: {  	v2 =	vand.u32 $0x7, v2;
	v3 =	vand.u32 $0xFFFFFF80, v3  }
0x3d: {  	v2 =	vor.u32 v2, v3  }
0x3e: {  	v2 =	vperm.xlane v2, v0;
	_ =	sdelay $0x1  }
0x3f: {  	v2 =	vadd.s32 v1, v2;
	_ =	sdelay $0x3  }
0x40: {  	s2 =	simm.s32 $0x0;
	s8 =	rddreg [dreg:$0x5]  }
0x41: {  	[tilespmem:s13], [sflag:$0x1] =	stream.indirect_vreg.gather [hbm4b:s8+s2], $0x80, v2, vm0, $0xb8;
	[tilespmem:$0x12C80] =	vst v63  }
0x42: {  	s15 =	rddreg [dreg:$0x11];
	s14 =	simm.s32 $0x4480  }
0x43: {  	[tilespmem:s14], [sflag:$0x1] =	stream.indirect_vreg.gather [hbm4b:s15+s2], $0x80, v2, vm0, $0xb8;
	[tilespmem:$0x12C80] =	vst v63  }
0x44: {  	s16 =	rddreg [dreg:$0x12];
	s17 =	simm.s32 $0x4C80  }
0x45: {  	[tilespmem:s17], [sflag:$0x1] =	stream.indirect_vreg.gather [hbm4b:s16+s2], $0x80, v2, vm0, $0xb8;
	[tilespmem:$0x12C80] =	vst v63  }
0x46: {  	s18 =	rddreg [dreg:$0x13];
	s25 =	simm.s32 $0x5480  }
0x47: {  	[tilespmem:s25], [sflag:$0x1] =	stream.indirect_vreg.gather [hbm4b:s18+s2], $0x80, v2, vm0, $0xb8;
	[tilespmem:$0x12C80] =	vst v63  }
0x48: {  	v2 =	vld.msk [tilespmem:s3+$0x1400], $0xf;
	_ =	sdelay $0x4  }
0x49: {  	v3 =	vshll.u32 v2, $0x6  }
0x4a: {  	v2 =	vand.u32 $0x7, v2;
	v3 =	vand.u32 $0xFFFFFE00, v3  }
0x4b: {  	v2 =	vor.u32 v2, v3  }
0x4c: {  	v2 =	vperm.xlane v2, v0;
	_ =	sdelay $0x1  }
0x4d: {  	v2 =	vadd.s32 v1, v2;
	_ =	sdelay $0x3  }
0x4e: {  	s15 =	rddreg [dreg:$0x6]  }
0x4f: {  	[tilespmem:s7], [sflag:$0x2] =	stream.indirect_vreg.gather [hbm4b:s15+s2], $0x80, v2, vm0, $0xb8;
	[tilespmem:$0x12C80] =	vst v63  }
0x50: {  	s16 =	rddreg [dreg:$0x14];
	s17 =	simm.s32 $0x6480  }
0x51: {  	[tilespmem:s17], [sflag:$0x2] =	stream.indirect_vreg.gather [hbm4b:s16+s2], $0x80, v2, vm0, $0xb8;
	[tilespmem:$0x12C80] =	vst v63  }
0x52: {  	s18 =	rddreg [dreg:$0x15];
	s25 =	simm.s32 $0x6C80  }
0x53: {  	[tilespmem:s25], [sflag:$0x2] =	stream.indirect_vreg.gather [hbm4b:s18+s2], $0x80, v2, vm0, $0xb8;
	[tilespmem:$0x12C80] =	vst v63  }
0x54: {  	s14 =	simm.s32 $0x7480  }
0x55: {  	[tilespmem:s14], [sflag:$0x2] =	stream.indirect_vreg.gather [hbm4b:s19+s2], $0x80, v2, vm0, $0xb8;
	[tilespmem:$0x12C80] =	vst v63  }
0x56: {  	s15 =	simm.s32 $0x7C80  }
0x57: {  	[tilespmem:s15], [sflag:$0x2] =	stream.indirect_vreg.gather [hbm4b:s20+s2], $0x80, v2, vm0, $0xb8;
	[tilespmem:$0x12C80] =	vst v63  }
0x58: {  	s16 =	simm.s32 $0x8480  }
0x59: {  	[tilespmem:s16], [sflag:$0x2] =	stream.indirect_vreg.gather [hbm4b:s21+s2], $0x80, v2, vm0, $0xb8;
	[tilespmem:$0x12C80] =	vst v63  }
0x5a: {  	s17 =	simm.s32 $0x8C80  }
0x5b: {  	[tilespmem:s17], [sflag:$0x2] =	stream.indirect_vreg.gather [hbm4b:s22+s2], $0x80, v2, vm0, $0xb8;
	[tilespmem:$0x12C80] =	vst v63  }
0x5c: {  	s18 =	simm.s32 $0x9480  }
0x5d: {  	[tilespmem:s18], [sflag:$0x2] =	stream.indirect_vreg.gather [hbm4b:s23+s2], $0x80, v2, vm0, $0xb8;
	[tilespmem:$0x12C80] =	vst v63  }
0x5e: {  	s25 =	simm.s32 $0x9C80  }
0x5f: {  	[tilespmem:s25], [sflag:$0x2] =	stream.indirect_vreg.gather [hbm4b:s24+s2], $0x80, v2, vm0, $0xb8;
	[tilespmem:$0x12C80] =	vst v63  }
0x60: {  	s8 =	simm.s32 $0xA480  }
0x61: {  	[tilespmem:s8], [sflag:$0x2] =	stream.indirect_vreg.gather [hbm4b:s26+s2], $0x80, v2, vm0, $0xb8;
	[tilespmem:$0x12C80] =	vst v63  }
0x62: {  	s14 =	simm.s32 $0xAC80  }
0x63: {  	[tilespmem:s14], [sflag:$0x2] =	stream.indirect_vreg.gather [hbm4b:s28+s2], $0x80, v2, vm0, $0xb8;
	[tilespmem:$0x12C80] =	vst v63  }
0x64: {  	s15 =	simm.s32 $0xB480  }
0x65: {  	[tilespmem:s15], [sflag:$0x2] =	stream.indirect_vreg.gather [hbm4b:s29+s2], $0x80, v2, vm0, $0xb8;
	[tilespmem:$0x12C80] =	vst v63  }
0x66: {  	s16 =	simm.s32 $0xBC80  }
0x67: {  	[tilespmem:s16], [sflag:$0x2] =	stream.indirect_vreg.gather [hbm4b:s30+s2], $0x80, v2, vm0, $0xb8;
	[tilespmem:$0x12C80] =	vst v63  }
0x68: {  	s17 =	simm.s32 $0xC480  }
0x69: {  	[tilespmem:s17], [sflag:$0x2] =	stream.indirect_vreg.gather [hbm4b:s31+s2], $0x80, v2, vm0, $0xb8;
	[tilespmem:$0x12C80] =	vst v63  }
0x6a: {  	s18 =	simm.s32 $0xCC80  }
0x6b: {  	[tilespmem:s18], [sflag:$0x2] =	stream.indirect_vreg.gather [hbm4b:s0+s2], $0x80, v2, vm0, $0xb8;
	[tilespmem:$0x12C80] =	vst v63  }
0x6c: {  	s25 =	simm.s32 $0xD480  }
0x6d: {  	[tilespmem:s25], [sflag:$0x2] =	stream.indirect_vreg.gather [hbm4b:s5+s2], $0x80, v2, vm0, $0xb8;
	[tilespmem:$0x12C80] =	vst v63  }
0x6e: {  	_ =	swait.ge [sflag:s12], $0x2000  }
0x6f: {  	s3 =	simm.s32 $0xFFFFFFFE;
	[sflag:s12] =	ssyncset.done $0x0  }
0x70: {  	s8 =	simm.s32 $0x0;
	s25 =	simm.s32 $0x0;
	[sflag:s12] =	ssyncadd.s32 $0xFFFFE000  }
.LBB2_3:
0x71: {  	s14 =	sshra.s32 s8, $0x2  }
0x72: {  	v2 =	vld [tilespmem:s14+$0x0];
	_ =	sdelay $0x4  }
0x73: {  	v3 =	vshll.u32 v2, $0x2  }
0x74: {  	v2 =	vand.u32 $0x7F, v2;
	v3 =	vand.u32 $0xFFFFFE00, v3  }
0x75: {  	v2 =	vor.u32 v2, v3;
	_ =	sdelay $0x4  }
0x76: {  	v3 =	vld.idx.msk [tilespmem:v2+s13+$0x0], $0xffff  }
0x77: {  	v4 =	vor.u32 $0x80, v2  }
0x78: {  	s16 =	sand.u32 $0xE00, s8  }
0x79: {  	s15 =	sand.u32 $0x60, s2;
	s14 =	sadd.s32 $0xDC80, s16  }
0x7a: {  	s16 =	sor.u32 s15, s14  }
0x7b: {  	[tilespmem:s16+$0x0] =	vst v3  }
0x7c: {  	v3 =	vld.idx.msk [tilespmem:v4+s13+$0x0], $0xffff  }
0x7d: {  	v61 =	vor.u32 $0x100, v2;
	_ =	sdelay $0x3  }
0x7e: {  	[tilespmem:s16+$0x80] =	vst v3  }
0x7f: {  	v3 =	vld.idx.msk [tilespmem:v61+s13+$0x0], $0xffff  }
0x80: {  	v2 =	vor.u32 $0x180, v2;
	_ =	sdelay $0x3  }
0x81: {  	[tilespmem:s16+$0x100] =	vst v3  }
0x82: {  	v2 =	vld.idx.msk [tilespmem:v2+s13+$0x0], $0xffff  }
0x83: {  	s17 =	sand.u32 $0x3, s25  }
0x84: {  	s16 =	sshll.u32 s17, $0x5  }
0x85: {  	s16 =	sadd.s32 s16, s8  }
0x86: {  	s18 =	sand.u32 $0x380, s2;
	s15 =	sor.u32 $0x10, s15;
	s17 =	sor.u32 $0x180, s16  }
0x87: {  	s18 =	sor.u32 s15, s18;
	[tilespmem:s17+$0xDC80] =	vst v2  }
0x88: {  	v2 =	vld [tilespmem:s18+$0x0];
	_ =	sdelay $0x4  }
0x89: {  	v3 =	vshll.u32 v2, $0x2  }
0x8a: {  	v2 =	vand.u32 $0x7F, v2;
	v3 =	vand.u32 $0xFFFFFE00, v3  }
0x8b: {  	v2 =	vor.u32 v2, v3;
	_ =	sdelay $0x4  }
0x8c: {  	v3 =	vld.idx.msk [tilespmem:v2+s13+$0x0], $0xffff  }
0x8d: {  	v62 =	vor.u32 $0x80, v2;
	_ =	sdelay $0x2  }
0x8e: {  	s14 =	sor.u32 s15, s14  }
0x8f: {  	[tilespmem:s14+$0x0] =	vst v3  }
0x90: {  	v3 =	vld.idx.msk [tilespmem:v62+s13+$0x0], $0xffff  }
0x91: {  	v63 =	vor.u32 $0x100, v2;
	_ =	sdelay $0x3  }
0x92: {  	[tilespmem:s14+$0x80] =	vst v3  }
0x93: {  	v3 =	vld.idx.msk [tilespmem:v63+s13+$0x0], $0xffff  }
0x94: {  	v2 =	vor.u32 $0x180, v2;
	_ =	sdelay $0x3  }
0x95: {  	s3 =	sadd.s32 $0x2, s3;
	[tilespmem:s14+$0x100] =	vst v3  }
0x96: {  	p0 =	slt.u32 s3, $0x3E;
	v2 =	vld.idx.msk [tilespmem:v2+s13+$0x0], $0xffff  }
.Ltmp0:
0x97: {  	_ = 	snop;
	(pc) =	sbr.rel @p0 .LBB2_3-.Ltmp0, $4  }
0x98: {  	_ = 	snop  }
0x99: {  	s18 =	sadd.s32 $0x10, s16  }
0x9a: {  	s14 =	sor.u32 $0x180, s18  }
0x9b: {  	s25 =	sadd.s32 $0x1, s25;
	s2 =	sadd.s32 $0x20, s2;
	s8 =	sadd.s32 $0x80, s8;
	[tilespmem:s14+$0xDC80] =	vst v2  }
0x9c: {  	_ =	swait.ge [sflag:s4], $0x8000  }
0x9d: {  	s2 =	simm.s32 $0xFFFFFFFE;
	s3 =	simm.s32 $0x0;
	[sflag:s4] =	ssyncset.done $0x0  }
0x9e: {  	s25 =	simm.s32 $0x0;
	s8 =	simm.s32 $0x0;
	[sflag:s4] =	ssyncadd.s32 $0xFFFF8000  }
.LBB2_5:
0x9f: {  	s14 =	sshra.s32 s8, $0x2  }
0xa0: {  	v2 =	vld [tilespmem:s14+$0x400];
	_ =	sdelay $0x4  }
0xa1: {  	v3 =	vshll.u32 v2, $0x2  }
0xa2: {  	v2 =	vand.u32 $0x7F, v2;
	v3 =	vand.u32 $0xFFFFFE00, v3  }
0xa3: {  	v2 =	vor.u32 v2, v3;
	_ =	sdelay $0x4  }
0xa4: {  	v3 =	vld.idx.msk [tilespmem:v2+s7+$0x0], $0xffff  }
0xa5: {  	v4 =	vor.u32 $0x80, v2  }
0xa6: {  	s16 =	sand.u32 $0x3E00, s8  }
0xa7: {  	s15 =	sand.u32 $0x60, s3;
	s14 =	sadd.s32 $0xEC80, s16  }
0xa8: {  	s16 =	sor.u32 s15, s14  }
0xa9: {  	[tilespmem:s16+$0x0] =	vst v3  }
0xaa: {  	v3 =	vld.idx.msk [tilespmem:v4+s7+$0x0], $0xffff  }
0xab: {  	v61 =	vor.u32 $0x100, v2;
	_ =	sdelay $0x3  }
0xac: {  	[tilespmem:s16+$0x80] =	vst v3  }
0xad: {  	v3 =	vld.idx.msk [tilespmem:v61+s7+$0x0], $0xffff  }
0xae: {  	v2 =	vor.u32 $0x180, v2;
	_ =	sdelay $0x3  }
0xaf: {  	[tilespmem:s16+$0x100] =	vst v3  }
0xb0: {  	v2 =	vld.idx.msk [tilespmem:v2+s7+$0x0], $0xffff  }
0xb1: {  	s17 =	sand.u32 $0x3, s25  }
0xb2: {  	s16 =	sshll.u32 s17, $0x5  }
0xb3: {  	s16 =	sadd.s32 s16, s8  }
0xb4: {  	s18 =	sand.u32 $0xF80, s3;
	s15 =	sor.u32 $0x10, s15;
	s17 =	sor.u32 $0x180, s16  }
0xb5: {  	s18 =	sor.u32 s15, s18;
	[tilespmem:s17+$0xEC80] =	vst v2  }
0xb6: {  	v2 =	vld [tilespmem:s18+$0x400];
	_ =	sdelay $0x4  }
0xb7: {  	v3 =	vshll.u32 v2, $0x2  }
0xb8: {  	v2 =	vand.u32 $0x7F, v2;
	v3 =	vand.u32 $0xFFFFFE00, v3  }
0xb9: {  	v2 =	vor.u32 v2, v3;
	_ =	sdelay $0x4  }
0xba: {  	v3 =	vld.idx.msk [tilespmem:v2+s7+$0x0], $0xffff  }
0xbb: {  	v62 =	vor.u32 $0x80, v2;
	_ =	sdelay $0x2  }
0xbc: {  	s14 =	sor.u32 s15, s14  }
0xbd: {  	[tilespmem:s14+$0x0] =	vst v3  }
0xbe: {  	v3 =	vld.idx.msk [tilespmem:v62+s7+$0x0], $0xffff  }
0xbf: {  	v63 =	vor.u32 $0x100, v2;
	_ =	sdelay $0x3  }
0xc0: {  	[tilespmem:s14+$0x80] =	vst v3  }
0xc1: {  	v3 =	vld.idx.msk [tilespmem:v63+s7+$0x0], $0xffff  }
0xc2: {  	v2 =	vor.u32 $0x180, v2;
	_ =	sdelay $0x3  }
0xc3: {  	s2 =	sadd.s32 $0x2, s2;
	[tilespmem:s14+$0x100] =	vst v3  }
0xc4: {  	p0 =	slt.u32 s2, $0xFE;
	v2 =	vld.idx.msk [tilespmem:v2+s7+$0x0], $0xffff  }
.Ltmp1:
0xc5: {  	_ = 	snop;
	(pc) =	sbr.rel @p0 .LBB2_5-.Ltmp1, $4  }
0xc6: {  	_ = 	snop  }
0xc7: {  	s18 =	sadd.s32 $0x10, s16  }
0xc8: {  	s14 =	sor.u32 $0x180, s18  }
0xc9: {  	s25 =	sadd.s32 $0x1, s25;
	s3 =	sadd.s32 $0x20, s3;
	s8 =	sadd.s32 $0x80, s8;
	[tilespmem:s14+$0xEC80] =	vst v2  }
0xca: {  	s2 =	sshll.u32 s10, $0x2;
	s3 =	rddreg [dreg:$0xb]  }
0xcb: {  	s2 =	sadd.s32 s3, s2  }
0xcc: {  	s2 =	sshrl.u32 s2, $0x3  }
0xcd: {  	s8 =	sand.u32 $0x200, s11;
	s15 =	sshll.u32 s2, $0xD  }
0xce: {  	s3 =	sor.u32 s8, s15  }
0xcf: {  	s16 =	rddreg [dreg:$0x8];
	s3 =	sshrl.u32 s3, $0x3  }
0xd0: {  	s17 =	simm.s32 $0xDC80;
	s3 =	sadd.s32 s16, s3  }
0xd1: {  	[hbm4b:s3+s6] =	stream.strided.scatter [tilespmem:s17], [sflag:$0x3], $0x1000, s9, s6, $0x38;
	[tilespmem:$0x12C80] =	vst v63  }
0xd2: {  	_ =	swait.ge [sflag:s1], $0x1000  }
0xd3: {  	s2 =	sshll.u32 s2, $0xF;
	[sflag:s1] =	ssyncset.done $0x0  }
0xd4: {  	s10 =	sadd.s32 $0x1, s10;
	s2 =	sor.u32 s8, s2;
	[sflag:s1] =	ssyncadd.s32 $0xFFFFF000  }
0xd5: {  	p0 =	sne.s32 s10, $0x10;
	s2 =	sshrl.u32 s2, $0x3;
	s18 =	rddreg [dreg:$0x9]  }
.Ltmp2:
0xd6: {  	s25 =	simm.s32 $0xEC80;
	s2 =	sadd.s32 s18, s2;
	(pc) =	sbr.rel @p0 .LBB2_2-.Ltmp2, $4  }
0xd7: {  	[hbm4b:s2+s6] =	stream.strided.scatter [tilespmem:s25], [sflag:$0x3], $0x4000, s9, s6, $0x38;
	[tilespmem:$0x12C80] =	vst v63  }
0xd8: {  	_ =	swait.ge [sflag:s1], $0x4000  }
0xd9: {  	[sflag:s1] =	ssyncset.done $0x0  }
0xda: {  	[sflag:s1] =	ssyncadd.s32 $0xFFFFC000  }
0xdb: {  	s3 =	rddreg [dreg:$0x17]  }
0xdc: {  	s2 =	rddreg [dreg:$0x16];
	s3 =	sadd.s32 $0x1, s3  }
0xdd: {  	p0 =	sne.s32 s3, s2  }
.Ltmp3:
0xde: {  	_ = 	snop;
	(pc) =	sbr.rel @p0 .LBB2_1-.Ltmp3, $1  }
0xdf: {  	_ =	sdelay $0x3  }
0xe0: {  	_ =	sfence.sel $0x180000  }
0xe1: {  	[bflag:$0x0] =	sbarrier.arrive $0xFFFF  }
0xe2: {  	_ =	strace $0x90000047  }
0xe3: {  	s0 =	stileid.u32;
	[bflag:$0x2] =	sbarrier.arrive $0xFFFF  }
0xe4: {  	p0 =	sne.s32 s0, $0x0;
	s0 =	rddreg [dreg:$0xa]  }
0xe5: {  	s0 =	sadd.s32 @!p0 $0x100000, s0  }
0xe6: {  	[sflag:s0] =	ssyncadd.tile.s32 @!p0 $0x1;
	_ =	shalt  }
.Lfunc_end2:
_tile_overlayer_lowered:
.L_overlay_start_2:
0xe7: {  	(tag) =	ssettag $0x2  }
0xe8: {  	s0 =	rddreg [dreg:$0x0];
	s2 =	stileid.u32  }
0xe9: {  	s1 =	rddreg [dreg:$0x1];
	p0 =	sne.s32 s2, $0x0  }
0xea: {  	s3 =	rddreg [dreg:$0x2];
	[bflag:$0x3] =	sbarrier.arrive $0xFFFF;
	s2 =	simm.s32 @!p0 $0x1C03  }
0xeb: {  	[timem:s3], [sflag:s2] =	dma.local @!p0 [hbm:s0], s1  }
0xec: {  	s0 =	simm.s32 @!p0 $0x3  }
0xed: {  	_ =	swait.ge @!p0 [sflag:s0], s1  }
0xee: {  	s1 =	ssub.s32 @!p0 $0x0, s1;
	[sflag:s0] =	ssyncset.done @!p0 $0x0  }
0xef: {  	[sflag:s0] =	ssyncadd.s32 @!p0 s1  }
0xf0: {  	[bflag:$0x3] =	sbarrier.arrive $0xFFFF  }
0xf1: {  	_ =	shalt  }

</sc_bundles>
